<compile_context>
chip_gen: v7x
topology: tpu7x:2x2x1
jax: 0.10.2.dev20260603
libtpu: 0.0.44.dev20260713+nightly
codegen_flags: <defaults>
</compile_context>

<pallas_src>
import jax
import jax.numpy as jnp
from jax import lax
from jax.experimental import pallas as pl
from jax.experimental.pallas import tpu as pltpu
from jax.experimental.pallas import tpu_sc as plsc

_NUM_PARTICLES = 500000
_D = 64
_NW = 32
_PERW = 15624
_CHUNK = 504
_NCH = _PERW // _CHUNK
_TAIL = _NUM_PARTICLES - _NW * _PERW


def _copy_body(src, out, b0, b1, i0, i1, o0, o1):
    wid = lax.axis_index("s") * 2 + lax.axis_index("c")
    base = wid * _PERW
    bufs, isems, osems = (b0, b1), (i0, i1), (o0, o1)

    def in_cp(i):
        return pltpu.make_async_copy(
            src.at[pl.ds(base + i * _CHUNK, _CHUNK), :], bufs[i % 2], isems[i % 2])

    def out_cp(i):
        return pltpu.make_async_copy(
            bufs[i % 2], out.at[pl.ds(base + i * _CHUNK, _CHUNK), :], osems[i % 2])

    in_cp(0).start()
    for i in range(_NCH):
        if i >= 1:
            out_cp(i - 1).wait()
        if i + 1 < _NCH:
            in_cp(i + 1).start()
        in_cp(i).wait()
        out_cp(i).start()
    out_cp(_NCH - 1).wait()

    @pl.when(wid == _NW - 1)
    def _():
        tb = _NW * _PERW
        cp_in = pltpu.make_async_copy(
            src.at[pl.ds(tb, _TAIL), :], b0.at[pl.ds(0, _TAIL), :], i0)
        cp_in.start()
        cp_in.wait()
        cp_out = pltpu.make_async_copy(
            b0.at[pl.ds(0, _TAIL), :], out.at[pl.ds(tb, _TAIL), :], o0)
        cp_out.start()
        cp_out.wait()


@jax.jit
def kernel(sample, particles):
    del sample
    mesh = plsc.VectorSubcoreMesh(core_axis_name="c", subcore_axis_name="s")
    return pl.kernel(
        _copy_body,
        out_type=jax.ShapeDtypeStruct((_NUM_PARTICLES, _D), jnp.float32),
        mesh=mesh,
        scratch_types=[
            pltpu.VMEM((_CHUNK, _D), jnp.float32),
            pltpu.VMEM((_CHUNK, _D), jnp.float32),
            pltpu.SemaphoreType.DMA, pltpu.SemaphoreType.DMA,
            pltpu.SemaphoreType.DMA, pltpu.SemaphoreType.DMA,
        ],
    )(particles)

# --- scband reference (transcript-rebuilt; emitter-appended) ---
"""Pipeline reference for scband-particle-generator-45208825757737 (READ-ONLY COPY).

The authoritative reference and input builder live on the scoring server;
editing this copy changes nothing except your own understanding.
"""

import jax, jax.numpy as jnp
import numpy as np

NUM_PARTICLES = 500000
D = 64
BATCH = 16384

def setup_inputs(seed: int = 0) -> dict:
    key = jax.random.key(seed)
    k1, k2 = jax.random.split(key)
    # learned parameter: particles initialized by sampling the base distribution
    # (base = standard multivariate normal in D dims)
    particles = jax.random.normal(k1, (NUM_PARTICLES, D), dtype=jnp.float32)
    sample = jax.random.normal(k2, (BATCH, D), dtype=jnp.float32)
    return {"sample": sample, "particles": particles}

def reference(sample, particles):
    # forward: return particles + 0.0 * mean(sample)
    # (the 0.0*mean(sample) term keeps `sample` in the graph without affecting values)
    return particles + 0.0 * jnp.mean(sample)

if __name__ == "__main__":
    import jax
    _d = setup_inputs()
    print(jax.jit(kernel)(*tuple(_d.values())))

</pallas_src>

<mosaic_0001>
#map = affine_map<(d0, d1) -> (0, 0)>
module attributes {stable_mosaic.version = 14 : i64} {
  func.func @_copy_body(%arg0: i32, %arg1: i32, %arg2: memref<500000x64xf32, #tpu.memory_space<hbm>>, %arg3: memref<500000x64xf32, #tpu.memory_space<hbm>>, %arg4: memref<504x64xf32, #tpu.memory_space<vmem>>, %arg5: memref<504x64xf32, #tpu.memory_space<vmem>>, %arg6: memref<!tpu.dma_semaphore, #tpu.memory_space<semaphore_mem>>, %arg7: memref<!tpu.dma_semaphore, #tpu.memory_space<semaphore_mem>>, %arg8: memref<!tpu.dma_semaphore, #tpu.memory_space<semaphore_mem>>, %arg9: memref<!tpu.dma_semaphore, #tpu.memory_space<semaphore_mem>>) attributes {dimension_semantics = [#tpu.dimension_semantics<core_parallel>, #tpu.dimension_semantics<subcore_parallel>], iteration_bounds = array<i64: 2, 16>, scalar_prefetch = 0 : i64, scratch_operands = 6 : i64, tpu.core_type = #tpu.core_type<sc_vector_subcore>, window_params = [{transform_indices = #map}, {transform_indices = #map}]} {
    %mul3A = arith.constant 2 : i32
    %mul3A_0 = arith.muli %arg1, %mul3A : i32
    %add3A = arith.addi %mul3A_0, %arg0 : i32
    %mul3A_1 = arith.constant 15624 : i32
    %mul3A_2 = arith.muli %add3A, %mul3A_1 : i32
    %add3A_3 = arith.constant 0 : i32
    %add3A_4 = arith.addi %mul3A_2, %add3A_3 : i32
    %dma_start3A = arith.constant 0 : i32
    %dma_start3A_5 = tpu.memref_slice %arg2[%add3A_4, %dma_start3A] : memref<500000x64xf32, #tpu.memory_space<hbm>> -> memref<504x64xf32, #tpu.memory_space<hbm>>
    %dma_start3A_6 = arith.constant 0 : i32
    %dma_start3A_7 = tpu.memref_slice %arg2[%add3A_4, %dma_start3A_6] : memref<500000x64xf32, #tpu.memory_space<hbm>> -> memref<504x64xf32, #tpu.memory_space<hbm>>
    tpu.enqueue_dma source(%dma_start3A_7 : memref<504x64xf32, #tpu.memory_space<hbm>>) target(%arg4 : memref<504x64xf32, #tpu.memory_space<vmem>>) target_semaphore(%arg6 : memref<!tpu.dma_semaphore, #tpu.memory_space<semaphore_mem>>)
    %add3A_8 = arith.constant 504 : i32
    %add3A_9 = arith.addi %mul3A_2, %add3A_8 : i32
    %dma_start3A_10 = arith.constant 0 : i32
    %dma_start3A_11 = tpu.memref_slice %arg2[%add3A_9, %dma_start3A_10] : memref<500000x64xf32, #tpu.memory_space<hbm>> -> memref<504x64xf32, #tpu.memory_space<hbm>>
    %dma_start3A_12 = arith.constant 0 : i32
    %dma_start3A_13 = tpu.memref_slice %arg2[%add3A_9, %dma_start3A_12] : memref<500000x64xf32, #tpu.memory_space<hbm>> -> memref<504x64xf32, #tpu.memory_space<hbm>>
    tpu.enqueue_dma source(%dma_start3A_13 : memref<504x64xf32, #tpu.memory_space<hbm>>) target(%arg5 : memref<504x64xf32, #tpu.memory_space<vmem>>) target_semaphore(%arg7 : memref<!tpu.dma_semaphore, #tpu.memory_space<semaphore_mem>>)
    %add3A_14 = arith.constant 0 : i32
    %add3A_15 = arith.addi %mul3A_2, %add3A_14 : i32
    %dma_wait3A = arith.constant 0 : i32
    %dma_wait3A_16 = tpu.memref_slice %arg2[%add3A_15, %dma_wait3A] : memref<500000x64xf32, #tpu.memory_space<hbm>> -> memref<504x64xf32, #tpu.memory_space<hbm>>
    %dma_wait3A_17 = arith.constant 0 : i32
    %dma_wait3A_18 = tpu.memref_slice %arg2[%add3A_15, %dma_wait3A_17] : memref<500000x64xf32, #tpu.memory_space<hbm>> -> memref<504x64xf32, #tpu.memory_space<hbm>>
    tpu.wait_dma2 semaphore(%arg6 : memref<!tpu.dma_semaphore, #tpu.memory_space<semaphore_mem>>) src(%dma_wait3A_18 : memref<504x64xf32, #tpu.memory_space<hbm>>) dst(%arg4 : memref<504x64xf32, #tpu.memory_space<vmem>>)
    %add3A_19 = arith.constant 0 : i32
    %add3A_20 = arith.addi %mul3A_2, %add3A_19 : i32
    %dma_start3A_21 = arith.constant 0 : i32
    %dma_start3A_22 = tpu.memref_slice %arg3[%add3A_20, %dma_start3A_21] : memref<500000x64xf32, #tpu.memory_space<hbm>> -> memref<504x64xf32, #tpu.memory_space<hbm>>
    %dma_start3A_23 = arith.constant 0 : i32
    %dma_start3A_24 = tpu.memref_slice %arg3[%add3A_20, %dma_start3A_23] : memref<500000x64xf32, #tpu.memory_space<hbm>> -> memref<504x64xf32, #tpu.memory_space<hbm>>
    tpu.enqueue_dma source(%arg4 : memref<504x64xf32, #tpu.memory_space<vmem>>) target(%dma_start3A_24 : memref<504x64xf32, #tpu.memory_space<hbm>>) target_semaphore(%arg8 : memref<!tpu.dma_semaphore, #tpu.memory_space<semaphore_mem>>)
    %add3A_25 = arith.constant 0 : i32
    %add3A_26 = arith.addi %mul3A_2, %add3A_25 : i32
    %dma_wait3A_27 = arith.constant 0 : i32
    %dma_wait3A_28 = tpu.memref_slice %arg3[%add3A_26, %dma_wait3A_27] : memref<500000x64xf32, #tpu.memory_space<hbm>> -> memref<504x64xf32, #tpu.memory_space<hbm>>
    %dma_wait3A_29 = arith.constant 0 : i32
    %dma_wait3A_30 = tpu.memref_slice %arg3[%add3A_26, %dma_wait3A_29] : memref<500000x64xf32, #tpu.memory_space<hbm>> -> memref<504x64xf32, #tpu.memory_space<hbm>>
    tpu.wait_dma2 semaphore(%arg8 : memref<!tpu.dma_semaphore, #tpu.memory_space<semaphore_mem>>) src(%arg4 : memref<504x64xf32, #tpu.memory_space<vmem>>) dst(%dma_wait3A_30 : memref<504x64xf32, #tpu.memory_space<hbm>>)
    %add3A_31 = arith.constant 1008 : i32
    %add3A_32 = arith.addi %mul3A_2, %add3A_31 : i32
    %dma_start3A_33 = arith.constant 0 : i32
    %dma_start3A_34 = tpu.memref_slice %arg2[%add3A_32, %dma_start3A_33] : memref<500000x64xf32, #tpu.memory_space<hbm>> -> memref<504x64xf32, #tpu.memory_space<hbm>>
    %dma_start3A_35 = arith.constant 0 : i32
    %dma_start3A_36 = tpu.memref_slice %arg2[%add3A_32, %dma_start3A_35] : memref<500000x64xf32, #tpu.memory_space<hbm>> -> memref<504x64xf32, #tpu.memory_space<hbm>>
    tpu.enqueue_dma source(%dma_start3A_36 : memref<504x64xf32, #tpu.memory_space<hbm>>) target(%arg4 : memref<504x64xf32, #tpu.memory_space<vmem>>) target_semaphore(%arg6 : memref<!tpu.dma_semaphore, #tpu.memory_space<semaphore_mem>>)
    %add3A_37 = arith.constant 504 : i32
    %add3A_38 = arith.addi %mul3A_2, %add3A_37 : i32
    %dma_wait3A_39 = arith.constant 0 : i32
    %dma_wait3A_40 = tpu.memref_slice %arg2[%add3A_38, %dma_wait3A_39] : memref<500000x64xf32, #tpu.memory_space<hbm>> -> memref<504x64xf32, #tpu.memory_space<hbm>>
    %dma_wait3A_41 = arith.constant 0 : i32
    %dma_wait3A_42 = tpu.memref_slice %arg2[%add3A_38, %dma_wait3A_41] : memref<500000x64xf32, #tpu.memory_space<hbm>> -> memref<504x64xf32, #tpu.memory_space<hbm>>
    tpu.wait_dma2 semaphore(%arg7 : memref<!tpu.dma_semaphore, #tpu.memory_space<semaphore_mem>>) src(%dma_wait3A_42 : memref<504x64xf32, #tpu.memory_space<hbm>>) dst(%arg5 : memref<504x64xf32, #tpu.memory_space<vmem>>)
    %add3A_43 = arith.constant 504 : i32
    %add3A_44 = arith.addi %mul3A_2, %add3A_43 : i32
    %dma_start3A_45 = arith.constant 0 : i32
    %dma_start3A_46 = tpu.memref_slice %arg3[%add3A_44, %dma_start3A_45] : memref<500000x64xf32, #tpu.memory_space<hbm>> -> memref<504x64xf32, #tpu.memory_space<hbm>>
    %dma_start3A_47 = arith.constant 0 : i32
    %dma_start3A_48 = tpu.memref_slice %arg3[%add3A_44, %dma_start3A_47] : memref<500000x64xf32, #tpu.memory_space<hbm>> -> memref<504x64xf32, #tpu.memory_space<hbm>>
    tpu.enqueue_dma source(%arg5 : memref<504x64xf32, #tpu.memory_space<vmem>>) target(%dma_start3A_48 : memref<504x64xf32, #tpu.memory_space<hbm>>) target_semaphore(%arg9 : memref<!tpu.dma_semaphore, #tpu.memory_space<semaphore_mem>>)
    %add3A_49 = arith.constant 504 : i32
    %add3A_50 = arith.addi %mul3A_2, %add3A_49 : i32
    %dma_wait3A_51 = arith.constant 0 : i32
    %dma_wait3A_52 = tpu.memref_slice %arg3[%add3A_50, %dma_wait3A_51] : memref<500000x64xf32, #tpu.memory_space<hbm>> -> memref<504x64xf32, #tpu.memory_space<hbm>>
    %dma_wait3A_53 = arith.constant 0 : i32
    %dma_wait3A_54 = tpu.memref_slice %arg3[%add3A_50, %dma_wait3A_53] : memref<500000x64xf32, #tpu.memory_space<hbm>> -> memref<504x64xf32, #tpu.memory_space<hbm>>
    tpu.wait_dma2 semaphore(%arg9 : memref<!tpu.dma_semaphore, #tpu.memory_space<semaphore_mem>>) src(%arg5 : memref<504x64xf32, #tpu.memory_space<vmem>>) dst(%dma_wait3A_54 : memref<504x64xf32, #tpu.memory_space<hbm>>)
    %add3A_55 = arith.constant 1512 : i32
    %add3A_56 = arith.addi %mul3A_2, %add3A_55 : i32
    %dma_start3A_57 = arith.constant 0 : i32
    %dma_start3A_58 = tpu.memref_slice %arg2[%add3A_56, %dma_start3A_57] : memref<500000x64xf32, #tpu.memory_space<hbm>> -> memref<504x64xf32, #tpu.memory_space<hbm>>
    %dma_start3A_59 = arith.constant 0 : i32
    %dma_start3A_60 = tpu.memref_slice %arg2[%add3A_56, %dma_start3A_59] : memref<500000x64xf32, #tpu.memory_space<hbm>> -> memref<504x64xf32, #tpu.memory_space<hbm>>
    tpu.enqueue_dma source(%dma_start3A_60 : memref<504x64xf32, #tpu.memory_space<hbm>>) target(%arg5 : memref<504x64xf32, #tpu.memory_space<vmem>>) target_semaphore(%arg7 : memref<!tpu.dma_semaphore, #tpu.memory_space<semaphore_mem>>)
    %add3A_61 = arith.constant 1008 : i32
    %add3A_62 = arith.addi %mul3A_2, %add3A_61 : i32
    %dma_wait3A_63 = arith.constant 0 : i32
    %dma_wait3A_64 = tpu.memref_slice %arg2[%add3A_62, %dma_wait3A_63] : memref<500000x64xf32, #tpu.memory_space<hbm>> -> memref<504x64xf32, #tpu.memory_space<hbm>>
    %dma_wait3A_65 = arith.constant 0 : i32
    %dma_wait3A_66 = tpu.memref_slice %arg2[%add3A_62, %dma_wait3A_65] : memref<500000x64xf32, #tpu.memory_space<hbm>> -> memref<504x64xf32, #tpu.memory_space<hbm>>
    tpu.wait_dma2 semaphore(%arg6 : memref<!tpu.dma_semaphore, #tpu.memory_space<semaphore_mem>>) src(%dma_wait3A_66 : memref<504x64xf32, #tpu.memory_space<hbm>>) dst(%arg4 : memref<504x64xf32, #tpu.memory_space<vmem>>)
    %add3A_67 = arith.constant 1008 : i32
    %add3A_68 = arith.addi %mul3A_2, %add3A_67 : i32
    %dma_start3A_69 = arith.constant 0 : i32
    %dma_start3A_70 = tpu.memref_slice %arg3[%add3A_68, %dma_start3A_69] : memref<500000x64xf32, #tpu.memory_space<hbm>> -> memref<504x64xf32, #tpu.memory_space<hbm>>
    %dma_start3A_71 = arith.constant 0 : i32
    %dma_start3A_72 = tpu.memref_slice %arg3[%add3A_68, %dma_start3A_71] : memref<500000x64xf32, #tpu.memory_space<hbm>> -> memref<504x64xf32, #tpu.memory_space<hbm>>
    tpu.enqueue_dma source(%arg4 : memref<504x64xf32, #tpu.memory_space<vmem>>) target(%dma_start3A_72 : memref<504x64xf32, #tpu.memory_space<hbm>>) target_semaphore(%arg8 : memref<!tpu.dma_semaphore, #tpu.memory_space<semaphore_mem>>)
    %add3A_73 = arith.constant 1008 : i32
    %add3A_74 = arith.addi %mul3A_2, %add3A_73 : i32
    %dma_wait3A_75 = arith.constant 0 : i32
    %dma_wait3A_76 = tpu.memref_slice %arg3[%add3A_74, %dma_wait3A_75] : memref<500000x64xf32, #tpu.memory_space<hbm>> -> memref<504x64xf32, #tpu.memory_space<hbm>>
    %dma_wait3A_77 = arith.constant 0 : i32
    %dma_wait3A_78 = tpu.memref_slice %arg3[%add3A_74, %dma_wait3A_77] : memref<500000x64xf32, #tpu.memory_space<hbm>> -> memref<504x64xf32, #tpu.memory_space<hbm>>
    tpu.wait_dma2 semaphore(%arg8 : memref<!tpu.dma_semaphore, #tpu.memory_space<semaphore_mem>>) src(%arg4 : memref<504x64xf32, #tpu.memory_space<vmem>>) dst(%dma_wait3A_78 : memref<504x64xf32, #tpu.memory_space<hbm>>)
    %add3A_79 = arith.constant 2016 : i32
    %add3A_80 = arith.addi %mul3A_2, %add3A_79 : i32
    %dma_start3A_81 = arith.constant 0 : i32
    %dma_start3A_82 = tpu.memref_slice %arg2[%add3A_80, %dma_start3A_81] : memref<500000x64xf32, #tpu.memory_space<hbm>> -> memref<504x64xf32, #tpu.memory_space<hbm>>
    %dma_start3A_83 = arith.constant 0 : i32
    %dma_start3A_84 = tpu.memref_slice %arg2[%add3A_80, %dma_start3A_83] : memref<500000x64xf32, #tpu.memory_space<hbm>> -> memref<504x64xf32, #tpu.memory_space<hbm>>
    tpu.enqueue_dma source(%dma_start3A_84 : memref<504x64xf32, #tpu.memory_space<hbm>>) target(%arg4 : memref<504x64xf32, #tpu.memory_space<vmem>>) target_semaphore(%arg6 : memref<!tpu.dma_semaphore, #tpu.memory_space<semaphore_mem>>)
    %add3A_85 = arith.constant 1512 : i32
    %add3A_86 = arith.addi %mul3A_2, %add3A_85 : i32
    %dma_wait3A_87 = arith.constant 0 : i32
    %dma_wait3A_88 = tpu.memref_slice %arg2[%add3A_86, %dma_wait3A_87] : memref<500000x64xf32, #tpu.memory_space<hbm>> -> memref<504x64xf32, #tpu.memory_space<hbm>>
    %dma_wait3A_89 = arith.constant 0 : i32
    %dma_wait3A_90 = tpu.memref_slice %arg2[%add3A_86, %dma_wait3A_89] : memref<500000x64xf32, #tpu.memory_space<hbm>> -> memref<504x64xf32, #tpu.memory_space<hbm>>
    tpu.wait_dma2 semaphore(%arg7 : memref<!tpu.dma_semaphore, #tpu.memory_space<semaphore_mem>>) src(%dma_wait3A_90 : memref<504x64xf32, #tpu.memory_space<hbm>>) dst(%arg5 : memref<504x64xf32, #tpu.memory_space<vmem>>)
    %add3A_91 = arith.constant 1512 : i32
    %add3A_92 = arith.addi %mul3A_2, %add3A_91 : i32
    %dma_start3A_93 = arith.constant 0 : i32
    %dma_start3A_94 = tpu.memref_slice %arg3[%add3A_92, %dma_start3A_93] : memref<500000x64xf32, #tpu.memory_space<hbm>> -> memref<504x64xf32, #tpu.memory_space<hbm>>
    %dma_start3A_95 = arith.constant 0 : i32
    %dma_start3A_96 = tpu.memref_slice %arg3[%add3A_92, %dma_start3A_95] : memref<500000x64xf32, #tpu.memory_space<hbm>> -> memref<504x64xf32, #tpu.memory_space<hbm>>
    tpu.enqueue_dma source(%arg5 : memref<504x64xf32, #tpu.memory_space<vmem>>) target(%dma_start3A_96 : memref<504x64xf32, #tpu.memory_space<hbm>>) target_semaphore(%arg9 : memref<!tpu.dma_semaphore, #tpu.memory_space<semaphore_mem>>)
    %add3A_97 = arith.constant 1512 : i32
    %add3A_98 = arith.addi %mul3A_2, %add3A_97 : i32
    %dma_wait3A_99 = arith.constant 0 : i32
    %dma_wait3A_100 = tpu.memref_slice %arg3[%add3A_98, %dma_wait3A_99] : memref<500000x64xf32, #tpu.memory_space<hbm>> -> memref<504x64xf32, #tpu.memory_space<hbm>>
    %dma_wait3A_101 = arith.constant 0 : i32
    %dma_wait3A_102 = tpu.memref_slice %arg3[%add3A_98, %dma_wait3A_101] : memref<500000x64xf32, #tpu.memory_space<hbm>> -> memref<504x64xf32, #tpu.memory_space<hbm>>
    tpu.wait_dma2 semaphore(%arg9 : memref<!tpu.dma_semaphore, #tpu.memory_space<semaphore_mem>>) src(%arg5 : memref<504x64xf32, #tpu.memory_space<vmem>>) dst(%dma_wait3A_102 : memref<504x64xf32, #tpu.memory_space<hbm>>)
    %add3A_103 = arith.constant 2520 : i32
    %add3A_104 = arith.addi %mul3A_2, %add3A_103 : i32
    %dma_start3A_105 = arith.constant 0 : i32
    %dma_start3A_106 = tpu.memref_slice %arg2[%add3A_104, %dma_start3A_105] : memref<500000x64xf32, #tpu.memory_space<hbm>> -> memref<504x64xf32, #tpu.memory_space<hbm>>
    %dma_start3A_107 = arith.constant 0 : i32
    %dma_start3A_108 = tpu.memref_slice %arg2[%add3A_104, %dma_start3A_107] : memref<500000x64xf32, #tpu.memory_space<hbm>> -> memref<504x64xf32, #tpu.memory_space<hbm>>
    tpu.enqueue_dma source(%dma_start3A_108 : memref<504x64xf32, #tpu.memory_space<hbm>>) target(%arg5 : memref<504x64xf32, #tpu.memory_space<vmem>>) target_semaphore(%arg7 : memref<!tpu.dma_semaphore, #tpu.memory_space<semaphore_mem>>)
    %add3A_109 = arith.constant 2016 : i32
    %add3A_110 = arith.addi %mul3A_2, %add3A_109 : i32
    %dma_wait3A_111 = arith.constant 0 : i32
    %dma_wait3A_112 = tpu.memref_slice %arg2[%add3A_110, %dma_wait3A_111] : memref<500000x64xf32, #tpu.memory_space<hbm>> -> memref<504x64xf32, #tpu.memory_space<hbm>>
    %dma_wait3A_113 = arith.constant 0 : i32
    %dma_wait3A_114 = tpu.memref_slice %arg2[%add3A_110, %dma_wait3A_113] : memref<500000x64xf32, #tpu.memory_space<hbm>> -> memref<504x64xf32, #tpu.memory_space<hbm>>
    tpu.wait_dma2 semaphore(%arg6 : memref<!tpu.dma_semaphore, #tpu.memory_space<semaphore_mem>>) src(%dma_wait3A_114 : memref<504x64xf32, #tpu.memory_space<hbm>>) dst(%arg4 : memref<504x64xf32, #tpu.memory_space<vmem>>)
    %add3A_115 = arith.constant 2016 : i32
    %add3A_116 = arith.addi %mul3A_2, %add3A_115 : i32
    %dma_start3A_117 = arith.constant 0 : i32
    %dma_start3A_118 = tpu.memref_slice %arg3[%add3A_116, %dma_start3A_117] : memref<500000x64xf32, #tpu.memory_space<hbm>> -> memref<504x64xf32, #tpu.memory_space<hbm>>
    %dma_start3A_119 = arith.constant 0 : i32
    %dma_start3A_120 = tpu.memref_slice %arg3[%add3A_116, %dma_start3A_119] : memref<500000x64xf32, #tpu.memory_space<hbm>> -> memref<504x64xf32, #tpu.memory_space<hbm>>
    tpu.enqueue_dma source(%arg4 : memref<504x64xf32, #tpu.memory_space<vmem>>) target(%dma_start3A_120 : memref<504x64xf32, #tpu.memory_space<hbm>>) target_semaphore(%arg8 : memref<!tpu.dma_semaphore, #tpu.memory_space<semaphore_mem>>)
    %add3A_121 = arith.constant 2016 : i32
    %add3A_122 = arith.addi %mul3A_2, %add3A_121 : i32
    %dma_wait3A_123 = arith.constant 0 : i32
    %dma_wait3A_124 = tpu.memref_slice %arg3[%add3A_122, %dma_wait3A_123] : memref<500000x64xf32, #tpu.memory_space<hbm>> -> memref<504x64xf32, #tpu.memory_space<hbm>>
    %dma_wait3A_125 = arith.constant 0 : i32
    %dma_wait3A_126 = tpu.memref_slice %arg3[%add3A_122, %dma_wait3A_125] : memref<500000x64xf32, #tpu.memory_space<hbm>> -> memref<504x64xf32, #tpu.memory_space<hbm>>
    tpu.wait_dma2 semaphore(%arg8 : memref<!tpu.dma_semaphore, #tpu.memory_space<semaphore_mem>>) src(%arg4 : memref<504x64xf32, #tpu.memory_space<vmem>>) dst(%dma_wait3A_126 : memref<504x64xf32, #tpu.memory_space<hbm>>)
    %add3A_127 = arith.constant 3024 : i32
    %add3A_128 = arith.addi %mul3A_2, %add3A_127 : i32
    %dma_start3A_129 = arith.constant 0 : i32
    %dma_start3A_130 = tpu.memref_slice %arg2[%add3A_128, %dma_start3A_129] : memref<500000x64xf32, #tpu.memory_space<hbm>> -> memref<504x64xf32, #tpu.memory_space<hbm>>
    %dma_start3A_131 = arith.constant 0 : i32
    %dma_start3A_132 = tpu.memref_slice %arg2[%add3A_128, %dma_start3A_131] : memref<500000x64xf32, #tpu.memory_space<hbm>> -> memref<504x64xf32, #tpu.memory_space<hbm>>
    tpu.enqueue_dma source(%dma_start3A_132 : memref<504x64xf32, #tpu.memory_space<hbm>>) target(%arg4 : memref<504x64xf32, #tpu.memory_space<vmem>>) target_semaphore(%arg6 : memref<!tpu.dma_semaphore, #tpu.memory_space<semaphore_mem>>)
    %add3A_133 = arith.constant 2520 : i32
    %add3A_134 = arith.addi %mul3A_2, %add3A_133 : i32
    %dma_wait3A_135 = arith.constant 0 : i32
    %dma_wait3A_136 = tpu.memref_slice %arg2[%add3A_134, %dma_wait3A_135] : memref<500000x64xf32, #tpu.memory_space<hbm>> -> memref<504x64xf32, #tpu.memory_space<hbm>>
    %dma_wait3A_137 = arith.constant 0 : i32
    %dma_wait3A_138 = tpu.memref_slice %arg2[%add3A_134, %dma_wait3A_137] : memref<500000x64xf32, #tpu.memory_space<hbm>> -> memref<504x64xf32, #tpu.memory_space<hbm>>
    tpu.wait_dma2 semaphore(%arg7 : memref<!tpu.dma_semaphore, #tpu.memory_space<semaphore_mem>>) src(%dma_wait3A_138 : memref<504x64xf32, #tpu.memory_space<hbm>>) dst(%arg5 : memref<504x64xf32, #tpu.memory_space<vmem>>)
    %add3A_139 = arith.constant 2520 : i32
    %add3A_140 = arith.addi %mul3A_2, %add3A_139 : i32
    %dma_start3A_141 = arith.constant 0 : i32
    %dma_start3A_142 = tpu.memref_slice %arg3[%add3A_140, %dma_start3A_141] : memref<500000x64xf32, #tpu.memory_space<hbm>> -> memref<504x64xf32, #tpu.memory_space<hbm>>
    %dma_start3A_143 = arith.constant 0 : i32
    %dma_start3A_144 = tpu.memref_slice %arg3[%add3A_140, %dma_start3A_143] : memref<500000x64xf32, #tpu.memory_space<hbm>> -> memref<504x64xf32, #tpu.memory_space<hbm>>
    tpu.enqueue_dma source(%arg5 : memref<504x64xf32, #tpu.memory_space<vmem>>) target(%dma_start3A_144 : memref<504x64xf32, #tpu.memory_space<hbm>>) target_semaphore(%arg9 : memref<!tpu.dma_semaphore, #tpu.memory_space<semaphore_mem>>)
    %add3A_145 = arith.constant 2520 : i32
    %add3A_146 = arith.addi %mul3A_2, %add3A_145 : i32
    %dma_wait3A_147 = arith.constant 0 : i32
    %dma_wait3A_148 = tpu.memref_slice %arg3[%add3A_146, %dma_wait3A_147] : memref<500000x64xf32, #tpu.memory_space<hbm>> -> memref<504x64xf32, #tpu.memory_space<hbm>>
    %dma_wait3A_149 = arith.constant 0 : i32
    %dma_wait3A_150 = tpu.memref_slice %arg3[%add3A_146, %dma_wait3A_149] : memref<500000x64xf32, #tpu.memory_space<hbm>> -> memref<504x64xf32, #tpu.memory_space<hbm>>
    tpu.wait_dma2 semaphore(%arg9 : memref<!tpu.dma_semaphore, #tpu.memory_space<semaphore_mem>>) src(%arg5 : memref<504x64xf32, #tpu.memory_space<vmem>>) dst(%dma_wait3A_150 : memref<504x64xf32, #tpu.memory_space<hbm>>)
    %add3A_151 = arith.constant 3528 : i32
    %add3A_152 = arith.addi %mul3A_2, %add3A_151 : i32
    %dma_start3A_153 = arith.constant 0 : i32
    %dma_start3A_154 = tpu.memref_slice %arg2[%add3A_152, %dma_start3A_153] : memref<500000x64xf32, #tpu.memory_space<hbm>> -> memref<504x64xf32, #tpu.memory_space<hbm>>
    %dma_start3A_155 = arith.constant 0 : i32
    %dma_start3A_156 = tpu.memref_slice %arg2[%add3A_152, %dma_start3A_155] : memref<500000x64xf32, #tpu.memory_space<hbm>> -> memref<504x64xf32, #tpu.memory_space<hbm>>
    tpu.enqueue_dma source(%dma_start3A_156 : memref<504x64xf32, #tpu.memory_space<hbm>>) target(%arg5 : memref<504x64xf32, #tpu.memory_space<vmem>>) target_semaphore(%arg7 : memref<!tpu.dma_semaphore, #tpu.memory_space<semaphore_mem>>)
    %add3A_157 = arith.constant 3024 : i32
    %add3A_158 = arith.addi %mul3A_2, %add3A_157 : i32
    %dma_wait3A_159 = arith.constant 0 : i32
    %dma_wait3A_160 = tpu.memref_slice %arg2[%add3A_158, %dma_wait3A_159] : memref<500000x64xf32, #tpu.memory_space<hbm>> -> memref<504x64xf32, #tpu.memory_space<hbm>>
    %dma_wait3A_161 = arith.constant 0 : i32
    %dma_wait3A_162 = tpu.memref_slice %arg2[%add3A_158, %dma_wait3A_161] : memref<500000x64xf32, #tpu.memory_space<hbm>> -> memref<504x64xf32, #tpu.memory_space<hbm>>
    tpu.wait_dma2 semaphore(%arg6 : memref<!tpu.dma_semaphore, #tpu.memory_space<semaphore_mem>>) src(%dma_wait3A_162 : memref<504x64xf32, #tpu.memory_space<hbm>>) dst(%arg4 : memref<504x64xf32, #tpu.memory_space<vmem>>)
    %add3A_163 = arith.constant 3024 : i32
    %add3A_164 = arith.addi %mul3A_2, %add3A_163 : i32
    %dma_start3A_165 = arith.constant 0 : i32
    %dma_start3A_166 = tpu.memref_slice %arg3[%add3A_164, %dma_start3A_165] : memref<500000x64xf32, #tpu.memory_space<hbm>> -> memref<504x64xf32, #tpu.memory_space<hbm>>
    %dma_start3A_167 = arith.constant 0 : i32
    %dma_start3A_168 = tpu.memref_slice %arg3[%add3A_164, %dma_start3A_167] : memref<500000x64xf32, #tpu.memory_space<hbm>> -> memref<504x64xf32, #tpu.memory_space<hbm>>
    tpu.enqueue_dma source(%arg4 : memref<504x64xf32, #tpu.memory_space<vmem>>) target(%dma_start3A_168 : memref<504x64xf32, #tpu.memory_space<hbm>>) target_semaphore(%arg8 : memref<!tpu.dma_semaphore, #tpu.memory_space<semaphore_mem>>)
    %add3A_169 = arith.constant 3024 : i32
    %add3A_170 = arith.addi %mul3A_2, %add3A_169 : i32
    %dma_wait3A_171 = arith.constant 0 : i32
    %dma_wait3A_172 = tpu.memref_slice %arg3[%add3A_170, %dma_wait3A_171] : memref<500000x64xf32, #tpu.memory_space<hbm>> -> memref<504x64xf32, #tpu.memory_space<hbm>>
    %dma_wait3A_173 = arith.constant 0 : i32
    %dma_wait3A_174 = tpu.memref_slice %arg3[%add3A_170, %dma_wait3A_173] : memref<500000x64xf32, #tpu.memory_space<hbm>> -> memref<504x64xf32, #tpu.memory_space<hbm>>
    tpu.wait_dma2 semaphore(%arg8 : memref<!tpu.dma_semaphore, #tpu.memory_space<semaphore_mem>>) src(%arg4 : memref<504x64xf32, #tpu.memory_space<vmem>>) dst(%dma_wait3A_174 : memref<504x64xf32, #tpu.memory_space<hbm>>)
    %add3A_175 = arith.constant 4032 : i32
    %add3A_176 = arith.addi %mul3A_2, %add3A_175 : i32
    %dma_start3A_177 = arith.constant 0 : i32
    %dma_start3A_178 = tpu.memref_slice %arg2[%add3A_176, %dma_start3A_177] : memref<500000x64xf32, #tpu.memory_space<hbm>> -> memref<504x64xf32, #tpu.memory_space<hbm>>
    %dma_start3A_179 = arith.constant 0 : i32
    %dma_start3A_180 = tpu.memref_slice %arg2[%add3A_176, %dma_start3A_179] : memref<500000x64xf32, #tpu.memory_space<hbm>> -> memref<504x64xf32, #tpu.memory_space<hbm>>
    tpu.enqueue_dma source(%dma_start3A_180 : memref<504x64xf32, #tpu.memory_space<hbm>>) target(%arg4 : memref<504x64xf32, #tpu.memory_space<vmem>>) target_semaphore(%arg6 : memref<!tpu.dma_semaphore, #tpu.memory_space<semaphore_mem>>)
    %add3A_181 = arith.constant 3528 : i32
    %add3A_182 = arith.addi %mul3A_2, %add3A_181 : i32
    %dma_wait3A_183 = arith.constant 0 : i32
    %dma_wait3A_184 = tpu.memref_slice %arg2[%add3A_182, %dma_wait3A_183] : memref<500000x64xf32, #tpu.memory_space<hbm>> -> memref<504x64xf32, #tpu.memory_space<hbm>>
    %dma_wait3A_185 = arith.constant 0 : i32
    %dma_wait3A_186 = tpu.memref_slice %arg2[%add3A_182, %dma_wait3A_185] : memref<500000x64xf32, #tpu.memory_space<hbm>> -> memref<504x64xf32, #tpu.memory_space<hbm>>
    tpu.wait_dma2 semaphore(%arg7 : memref<!tpu.dma_semaphore, #tpu.memory_space<semaphore_mem>>) src(%dma_wait3A_186 : memref<504x64xf32, #tpu.memory_space<hbm>>) dst(%arg5 : memref<504x64xf32, #tpu.memory_space<vmem>>)
    %add3A_187 = arith.constant 3528 : i32
    %add3A_188 = arith.addi %mul3A_2, %add3A_187 : i32
    %dma_start3A_189 = arith.constant 0 : i32
    %dma_start3A_190 = tpu.memref_slice %arg3[%add3A_188, %dma_start3A_189] : memref<500000x64xf32, #tpu.memory_space<hbm>> -> memref<504x64xf32, #tpu.memory_space<hbm>>
    %dma_start3A_191 = arith.constant 0 : i32
    %dma_start3A_192 = tpu.memref_slice %arg3[%add3A_188, %dma_start3A_191] : memref<500000x64xf32, #tpu.memory_space<hbm>> -> memref<504x64xf32, #tpu.memory_space<hbm>>
    tpu.enqueue_dma source(%arg5 : memref<504x64xf32, #tpu.memory_space<vmem>>) target(%dma_start3A_192 : memref<504x64xf32, #tpu.memory_space<hbm>>) target_semaphore(%arg9 : memref<!tpu.dma_semaphore, #tpu.memory_space<semaphore_mem>>)
    %add3A_193 = arith.constant 3528 : i32
    %add3A_194 = arith.addi %mul3A_2, %add3A_193 : i32
    %dma_wait3A_195 = arith.constant 0 : i32
    %dma_wait3A_196 = tpu.memref_slice %arg3[%add3A_194, %dma_wait3A_195] : memref<500000x64xf32, #tpu.memory_space<hbm>> -> memref<504x64xf32, #tpu.memory_space<hbm>>
    %dma_wait3A_197 = arith.constant 0 : i32
    %dma_wait3A_198 = tpu.memref_slice %arg3[%add3A_194, %dma_wait3A_197] : memref<500000x64xf32, #tpu.memory_space<hbm>> -> memref<504x64xf32, #tpu.memory_space<hbm>>
    tpu.wait_dma2 semaphore(%arg9 : memref<!tpu.dma_semaphore, #tpu.memory_space<semaphore_mem>>) src(%arg5 : memref<504x64xf32, #tpu.memory_space<vmem>>) dst(%dma_wait3A_198 : memref<504x64xf32, #tpu.memory_space<hbm>>)
    %add3A_199 = arith.constant 4536 : i32
    %add3A_200 = arith.addi %mul3A_2, %add3A_199 : i32
    %dma_start3A_201 = arith.constant 0 : i32
    %dma_start3A_202 = tpu.memref_slice %arg2[%add3A_200, %dma_start3A_201] : memref<500000x64xf32, #tpu.memory_space<hbm>> -> memref<504x64xf32, #tpu.memory_space<hbm>>
    %dma_start3A_203 = arith.constant 0 : i32
    %dma_start3A_204 = tpu.memref_slice %arg2[%add3A_200, %dma_start3A_203] : memref<500000x64xf32, #tpu.memory_space<hbm>> -> memref<504x64xf32, #tpu.memory_space<hbm>>
    tpu.enqueue_dma source(%dma_start3A_204 : memref<504x64xf32, #tpu.memory_space<hbm>>) target(%arg5 : memref<504x64xf32, #tpu.memory_space<vmem>>) target_semaphore(%arg7 : memref<!tpu.dma_semaphore, #tpu.memory_space<semaphore_mem>>)
    %add3A_205 = arith.constant 4032 : i32
    %add3A_206 = arith.addi %mul3A_2, %add3A_205 : i32
    %dma_wait3A_207 = arith.constant 0 : i32
    %dma_wait3A_208 = tpu.memref_slice %arg2[%add3A_206, %dma_wait3A_207] : memref<500000x64xf32, #tpu.memory_space<hbm>> -> memref<504x64xf32, #tpu.memory_space<hbm>>
    %dma_wait3A_209 = arith.constant 0 : i32
    %dma_wait3A_210 = tpu.memref_slice %arg2[%add3A_206, %dma_wait3A_209] : memref<500000x64xf32, #tpu.memory_space<hbm>> -> memref<504x64xf32, #tpu.memory_space<hbm>>
    tpu.wait_dma2 semaphore(%arg6 : memref<!tpu.dma_semaphore, #tpu.memory_space<semaphore_mem>>) src(%dma_wait3A_210 : memref<504x64xf32, #tpu.memory_space<hbm>>) dst(%arg4 : memref<504x64xf32, #tpu.memory_space<vmem>>)
    %add3A_211 = arith.constant 4032 : i32
    %add3A_212 = arith.addi %mul3A_2, %add3A_211 : i32
    %dma_start3A_213 = arith.constant 0 : i32
    %dma_start3A_214 = tpu.memref_slice %arg3[%add3A_212, %dma_start3A_213] : memref<500000x64xf32, #tpu.memory_space<hbm>> -> memref<504x64xf32, #tpu.memory_space<hbm>>
    %dma_start3A_215 = arith.constant 0 : i32
    %dma_start3A_216 = tpu.memref_slice %arg3[%add3A_212, %dma_start3A_215] : memref<500000x64xf32, #tpu.memory_space<hbm>> -> memref<504x64xf32, #tpu.memory_space<hbm>>
    tpu.enqueue_dma source(%arg4 : memref<504x64xf32, #tpu.memory_space<vmem>>) target(%dma_start3A_216 : memref<504x64xf32, #tpu.memory_space<hbm>>) target_semaphore(%arg8 : memref<!tpu.dma_semaphore, #tpu.memory_space<semaphore_mem>>)
    %add3A_217 = arith.constant 4032 : i32
    %add3A_218 = arith.addi %mul3A_2, %add3A_217 : i32
    %dma_wait3A_219 = arith.constant 0 : i32
    %dma_wait3A_220 = tpu.memref_slice %arg3[%add3A_218, %dma_wait3A_219] : memref<500000x64xf32, #tpu.memory_space<hbm>> -> memref<504x64xf32, #tpu.memory_space<hbm>>
    %dma_wait3A_221 = arith.constant 0 : i32
    %dma_wait3A_222 = tpu.memref_slice %arg3[%add3A_218, %dma_wait3A_221] : memref<500000x64xf32, #tpu.memory_space<hbm>> -> memref<504x64xf32, #tpu.memory_space<hbm>>
    tpu.wait_dma2 semaphore(%arg8 : memref<!tpu.dma_semaphore, #tpu.memory_space<semaphore_mem>>) src(%arg4 : memref<504x64xf32, #tpu.memory_space<vmem>>) dst(%dma_wait3A_222 : memref<504x64xf32, #tpu.memory_space<hbm>>)
    %add3A_223 = arith.constant 5040 : i32
    %add3A_224 = arith.addi %mul3A_2, %add3A_223 : i32
    %dma_start3A_225 = arith.constant 0 : i32
    %dma_start3A_226 = tpu.memref_slice %arg2[%add3A_224, %dma_start3A_225] : memref<500000x64xf32, #tpu.memory_space<hbm>> -> memref<504x64xf32, #tpu.memory_space<hbm>>
    %dma_start3A_227 = arith.constant 0 : i32
    %dma_start3A_228 = tpu.memref_slice %arg2[%add3A_224, %dma_start3A_227] : memref<500000x64xf32, #tpu.memory_space<hbm>> -> memref<504x64xf32, #tpu.memory_space<hbm>>
    tpu.enqueue_dma source(%dma_start3A_228 : memref<504x64xf32, #tpu.memory_space<hbm>>) target(%arg4 : memref<504x64xf32, #tpu.memory_space<vmem>>) target_semaphore(%arg6 : memref<!tpu.dma_semaphore, #tpu.memory_space<semaphore_mem>>)
    %add3A_229 = arith.constant 4536 : i32
    %add3A_230 = arith.addi %mul3A_2, %add3A_229 : i32
    %dma_wait3A_231 = arith.constant 0 : i32
    %dma_wait3A_232 = tpu.memref_slice %arg2[%add3A_230, %dma_wait3A_231] : memref<500000x64xf32, #tpu.memory_space<hbm>> -> memref<504x64xf32, #tpu.memory_space<hbm>>
    %dma_wait3A_233 = arith.constant 0 : i32
    %dma_wait3A_234 = tpu.memref_slice %arg2[%add3A_230, %dma_wait3A_233] : memref<500000x64xf32, #tpu.memory_space<hbm>> -> memref<504x64xf32, #tpu.memory_space<hbm>>
    tpu.wait_dma2 semaphore(%arg7 : memref<!tpu.dma_semaphore, #tpu.memory_space<semaphore_mem>>) src(%dma_wait3A_234 : memref<504x64xf32, #tpu.memory_space<hbm>>) dst(%arg5 : memref<504x64xf32, #tpu.memory_space<vmem>>)
    %add3A_235 = arith.constant 4536 : i32
    %add3A_236 = arith.addi %mul3A_2, %add3A_235 : i32
    %dma_start3A_237 = arith.constant 0 : i32
    %dma_start3A_238 = tpu.memref_slice %arg3[%add3A_236, %dma_start3A_237] : memref<500000x64xf32, #tpu.memory_space<hbm>> -> memref<504x64xf32, #tpu.memory_space<hbm>>
    %dma_start3A_239 = arith.constant 0 : i32
    %dma_start3A_240 = tpu.memref_slice %arg3[%add3A_236, %dma_start3A_239] : memref<500000x64xf32, #tpu.memory_space<hbm>> -> memref<504x64xf32, #tpu.memory_space<hbm>>
    tpu.enqueue_dma source(%arg5 : memref<504x64xf32, #tpu.memory_space<vmem>>) target(%dma_start3A_240 : memref<504x64xf32, #tpu.memory_space<hbm>>) target_semaphore(%arg9 : memref<!tpu.dma_semaphore, #tpu.memory_space<semaphore_mem>>)
    %add3A_241 = arith.constant 4536 : i32
    %add3A_242 = arith.addi %mul3A_2, %add3A_241 : i32
    %dma_wait3A_243 = arith.constant 0 : i32
    %dma_wait3A_244 = tpu.memref_slice %arg3[%add3A_242, %dma_wait3A_243] : memref<500000x64xf32, #tpu.memory_space<hbm>> -> memref<504x64xf32, #tpu.memory_space<hbm>>
    %dma_wait3A_245 = arith.constant 0 : i32
    %dma_wait3A_246 = tpu.memref_slice %arg3[%add3A_242, %dma_wait3A_245] : memref<500000x64xf32, #tpu.memory_space<hbm>> -> memref<504x64xf32, #tpu.memory_space<hbm>>
    tpu.wait_dma2 semaphore(%arg9 : memref<!tpu.dma_semaphore, #tpu.memory_space<semaphore_mem>>) src(%arg5 : memref<504x64xf32, #tpu.memory_space<vmem>>) dst(%dma_wait3A_246 : memref<504x64xf32, #tpu.memory_space<hbm>>)
    %add3A_247 = arith.constant 5544 : i32
    %add3A_248 = arith.addi %mul3A_2, %add3A_247 : i32
    %dma_start3A_249 = arith.constant 0 : i32
    %dma_start3A_250 = tpu.memref_slice %arg2[%add3A_248, %dma_start3A_249] : memref<500000x64xf32, #tpu.memory_space<hbm>> -> memref<504x64xf32, #tpu.memory_space<hbm>>
    %dma_start3A_251 = arith.constant 0 : i32
    %dma_start3A_252 = tpu.memref_slice %arg2[%add3A_248, %dma_start3A_251] : memref<500000x64xf32, #tpu.memory_space<hbm>> -> memref<504x64xf32, #tpu.memory_space<hbm>>
    tpu.enqueue_dma source(%dma_start3A_252 : memref<504x64xf32, #tpu.memory_space<hbm>>) target(%arg5 : memref<504x64xf32, #tpu.memory_space<vmem>>) target_semaphore(%arg7 : memref<!tpu.dma_semaphore, #tpu.memory_space<semaphore_mem>>)
    %add3A_253 = arith.constant 5040 : i32
    %add3A_254 = arith.addi %mul3A_2, %add3A_253 : i32
    %dma_wait3A_255 = arith.constant 0 : i32
    %dma_wait3A_256 = tpu.memref_slice %arg2[%add3A_254, %dma_wait3A_255] : memref<500000x64xf32, #tpu.memory_space<hbm>> -> memref<504x64xf32, #tpu.memory_space<hbm>>
    %dma_wait3A_257 = arith.constant 0 : i32
    %dma_wait3A_258 = tpu.memref_slice %arg2[%add3A_254, %dma_wait3A_257] : memref<500000x64xf32, #tpu.memory_space<hbm>> -> memref<504x64xf32, #tpu.memory_space<hbm>>
    tpu.wait_dma2 semaphore(%arg6 : memref<!tpu.dma_semaphore, #tpu.memory_space<semaphore_mem>>) src(%dma_wait3A_258 : memref<504x64xf32, #tpu.memory_space<hbm>>) dst(%arg4 : memref<504x64xf32, #tpu.memory_space<vmem>>)
    %add3A_259 = arith.constant 5040 : i32
    %add3A_260 = arith.addi %mul3A_2, %add3A_259 : i32
    %dma_start3A_261 = arith.constant 0 : i32
    %dma_start3A_262 = tpu.memref_slice %arg3[%add3A_260, %dma_start3A_261] : memref<500000x64xf32, #tpu.memory_space<hbm>> -> memref<504x64xf32, #tpu.memory_space<hbm>>
    %dma_start3A_263 = arith.constant 0 : i32
    %dma_start3A_264 = tpu.memref_slice %arg3[%add3A_260, %dma_start3A_263] : memref<500000x64xf32, #tpu.memory_space<hbm>> -> memref<504x64xf32, #tpu.memory_space<hbm>>
    tpu.enqueue_dma source(%arg4 : memref<504x64xf32, #tpu.memory_space<vmem>>) target(%dma_start3A_264 : memref<504x64xf32, #tpu.memory_space<hbm>>) target_semaphore(%arg8 : memref<!tpu.dma_semaphore, #tpu.memory_space<semaphore_mem>>)
    %add3A_265 = arith.constant 5040 : i32
    %add3A_266 = arith.addi %mul3A_2, %add3A_265 : i32
    %dma_wait3A_267 = arith.constant 0 : i32
    %dma_wait3A_268 = tpu.memref_slice %arg3[%add3A_266, %dma_wait3A_267] : memref<500000x64xf32, #tpu.memory_space<hbm>> -> memref<504x64xf32, #tpu.memory_space<hbm>>
    %dma_wait3A_269 = arith.constant 0 : i32
    %dma_wait3A_270 = tpu.memref_slice %arg3[%add3A_266, %dma_wait3A_269] : memref<500000x64xf32, #tpu.memory_space<hbm>> -> memref<504x64xf32, #tpu.memory_space<hbm>>
    tpu.wait_dma2 semaphore(%arg8 : memref<!tpu.dma_semaphore, #tpu.memory_space<semaphore_mem>>) src(%arg4 : memref<504x64xf32, #tpu.memory_space<vmem>>) dst(%dma_wait3A_270 : memref<504x64xf32, #tpu.memory_space<hbm>>)
    %add3A_271 = arith.constant 6048 : i32
    %add3A_272 = arith.addi %mul3A_2, %add3A_271 : i32
    %dma_start3A_273 = arith.constant 0 : i32
    %dma_start3A_274 = tpu.memref_slice %arg2[%add3A_272, %dma_start3A_273] : memref<500000x64xf32, #tpu.memory_space<hbm>> -> memref<504x64xf32, #tpu.memory_space<hbm>>
    %dma_start3A_275 = arith.constant 0 : i32
    %dma_start3A_276 = tpu.memref_slice %arg2[%add3A_272, %dma_start3A_275] : memref<500000x64xf32, #tpu.memory_space<hbm>> -> memref<504x64xf32, #tpu.memory_space<hbm>>
    tpu.enqueue_dma source(%dma_start3A_276 : memref<504x64xf32, #tpu.memory_space<hbm>>) target(%arg4 : memref<504x64xf32, #tpu.memory_space<vmem>>) target_semaphore(%arg6 : memref<!tpu.dma_semaphore, #tpu.memory_space<semaphore_mem>>)
    %add3A_277 = arith.constant 5544 : i32
    %add3A_278 = arith.addi %mul3A_2, %add3A_277 : i32
    %dma_wait3A_279 = arith.constant 0 : i32
    %dma_wait3A_280 = tpu.memref_slice %arg2[%add3A_278, %dma_wait3A_279] : memref<500000x64xf32, #tpu.memory_space<hbm>> -> memref<504x64xf32, #tpu.memory_space<hbm>>
    %dma_wait3A_281 = arith.constant 0 : i32
    %dma_wait3A_282 = tpu.memref_slice %arg2[%add3A_278, %dma_wait3A_281] : memref<500000x64xf32, #tpu.memory_space<hbm>> -> memref<504x64xf32, #tpu.memory_space<hbm>>
    tpu.wait_dma2 semaphore(%arg7 : memref<!tpu.dma_semaphore, #tpu.memory_space<semaphore_mem>>) src(%dma_wait3A_282 : memref<504x64xf32, #tpu.memory_space<hbm>>) dst(%arg5 : memref<504x64xf32, #tpu.memory_space<vmem>>)
    %add3A_283 = arith.constant 5544 : i32
    %add3A_284 = arith.addi %mul3A_2, %add3A_283 : i32
    %dma_start3A_285 = arith.constant 0 : i32
    %dma_start3A_286 = tpu.memref_slice %arg3[%add3A_284, %dma_start3A_285] : memref<500000x64xf32, #tpu.memory_space<hbm>> -> memref<504x64xf32, #tpu.memory_space<hbm>>
    %dma_start3A_287 = arith.constant 0 : i32
    %dma_start3A_288 = tpu.memref_slice %arg3[%add3A_284, %dma_start3A_287] : memref<500000x64xf32, #tpu.memory_space<hbm>> -> memref<504x64xf32, #tpu.memory_space<hbm>>
    tpu.enqueue_dma source(%arg5 : memref<504x64xf32, #tpu.memory_space<vmem>>) target(%dma_start3A_288 : memref<504x64xf32, #tpu.memory_space<hbm>>) target_semaphore(%arg9 : memref<!tpu.dma_semaphore, #tpu.memory_space<semaphore_mem>>)
    %add3A_289 = arith.constant 5544 : i32
    %add3A_290 = arith.addi %mul3A_2, %add3A_289 : i32
    %dma_wait3A_291 = arith.constant 0 : i32
    %dma_wait3A_292 = tpu.memref_slice %arg3[%add3A_290, %dma_wait3A_291] : memref<500000x64xf32, #tpu.memory_space<hbm>> -> memref<504x64xf32, #tpu.memory_space<hbm>>
    %dma_wait3A_293 = arith.constant 0 : i32
    %dma_wait3A_294 = tpu.memref_slice %arg3[%add3A_290, %dma_wait3A_293] : memref<500000x64xf32, #tpu.memory_space<hbm>> -> memref<504x64xf32, #tpu.memory_space<hbm>>
    tpu.wait_dma2 semaphore(%arg9 : memref<!tpu.dma_semaphore, #tpu.memory_space<semaphore_mem>>) src(%arg5 : memref<504x64xf32, #tpu.memory_space<vmem>>) dst(%dma_wait3A_294 : memref<504x64xf32, #tpu.memory_space<hbm>>)
    %add3A_295 = arith.constant 6552 : i32
    %add3A_296 = arith.addi %mul3A_2, %add3A_295 : i32
    %dma_start3A_297 = arith.constant 0 : i32
    %dma_start3A_298 = tpu.memref_slice %arg2[%add3A_296, %dma_start3A_297] : memref<500000x64xf32, #tpu.memory_space<hbm>> -> memref<504x64xf32, #tpu.memory_space<hbm>>
    %dma_start3A_299 = arith.constant 0 : i32
    %dma_start3A_300 = tpu.memref_slice %arg2[%add3A_296, %dma_start3A_299] : memref<500000x64xf32, #tpu.memory_space<hbm>> -> memref<504x64xf32, #tpu.memory_space<hbm>>
    tpu.enqueue_dma source(%dma_start3A_300 : memref<504x64xf32, #tpu.memory_space<hbm>>) target(%arg5 : memref<504x64xf32, #tpu.memory_space<vmem>>) target_semaphore(%arg7 : memref<!tpu.dma_semaphore, #tpu.memory_space<semaphore_mem>>)
    %add3A_301 = arith.constant 6048 : i32
    %add3A_302 = arith.addi %mul3A_2, %add3A_301 : i32
    %dma_wait3A_303 = arith.constant 0 : i32
    %dma_wait3A_304 = tpu.memref_slice %arg2[%add3A_302, %dma_wait3A_303] : memref<500000x64xf32, #tpu.memory_space<hbm>> -> memref<504x64xf32, #tpu.memory_space<hbm>>
    %dma_wait3A_305 = arith.constant 0 : i32
    %dma_wait3A_306 = tpu.memref_slice %arg2[%add3A_302, %dma_wait3A_305] : memref<500000x64xf32, #tpu.memory_space<hbm>> -> memref<504x64xf32, #tpu.memory_space<hbm>>
    tpu.wait_dma2 semaphore(%arg6 : memref<!tpu.dma_semaphore, #tpu.memory_space<semaphore_mem>>) src(%dma_wait3A_306 : memref<504x64xf32, #tpu.memory_space<hbm>>) dst(%arg4 : memref<504x64xf32, #tpu.memory_space<vmem>>)
    %add3A_307 = arith.constant 6048 : i32
    %add3A_308 = arith.addi %mul3A_2, %add3A_307 : i32
    %dma_start3A_309 = arith.constant 0 : i32
    %dma_start3A_310 = tpu.memref_slice %arg3[%add3A_308, %dma_start3A_309] : memref<500000x64xf32, #tpu.memory_space<hbm>> -> memref<504x64xf32, #tpu.memory_space<hbm>>
    %dma_start3A_311 = arith.constant 0 : i32
    %dma_start3A_312 = tpu.memref_slice %arg3[%add3A_308, %dma_start3A_311] : memref<500000x64xf32, #tpu.memory_space<hbm>> -> memref<504x64xf32, #tpu.memory_space<hbm>>
    tpu.enqueue_dma source(%arg4 : memref<504x64xf32, #tpu.memory_space<vmem>>) target(%dma_start3A_312 : memref<504x64xf32, #tpu.memory_space<hbm>>) target_semaphore(%arg8 : memref<!tpu.dma_semaphore, #tpu.memory_space<semaphore_mem>>)
    %add3A_313 = arith.constant 6048 : i32
    %add3A_314 = arith.addi %mul3A_2, %add3A_313 : i32
    %dma_wait3A_315 = arith.constant 0 : i32
    %dma_wait3A_316 = tpu.memref_slice %arg3[%add3A_314, %dma_wait3A_315] : memref<500000x64xf32, #tpu.memory_space<hbm>> -> memref<504x64xf32, #tpu.memory_space<hbm>>
    %dma_wait3A_317 = arith.constant 0 : i32
    %dma_wait3A_318 = tpu.memref_slice %arg3[%add3A_314, %dma_wait3A_317] : memref<500000x64xf32, #tpu.memory_space<hbm>> -> memref<504x64xf32, #tpu.memory_space<hbm>>
    tpu.wait_dma2 semaphore(%arg8 : memref<!tpu.dma_semaphore, #tpu.memory_space<semaphore_mem>>) src(%arg4 : memref<504x64xf32, #tpu.memory_space<vmem>>) dst(%dma_wait3A_318 : memref<504x64xf32, #tpu.memory_space<hbm>>)
    %add3A_319 = arith.constant 7056 : i32
    %add3A_320 = arith.addi %mul3A_2, %add3A_319 : i32
    %dma_start3A_321 = arith.constant 0 : i32
    %dma_start3A_322 = tpu.memref_slice %arg2[%add3A_320, %dma_start3A_321] : memref<500000x64xf32, #tpu.memory_space<hbm>> -> memref<504x64xf32, #tpu.memory_space<hbm>>
    %dma_start3A_323 = arith.constant 0 : i32
    %dma_start3A_324 = tpu.memref_slice %arg2[%add3A_320, %dma_start3A_323] : memref<500000x64xf32, #tpu.memory_space<hbm>> -> memref<504x64xf32, #tpu.memory_space<hbm>>
    tpu.enqueue_dma source(%dma_start3A_324 : memref<504x64xf32, #tpu.memory_space<hbm>>) target(%arg4 : memref<504x64xf32, #tpu.memory_space<vmem>>) target_semaphore(%arg6 : memref<!tpu.dma_semaphore, #tpu.memory_space<semaphore_mem>>)
    %add3A_325 = arith.constant 6552 : i32
    %add3A_326 = arith.addi %mul3A_2, %add3A_325 : i32
    %dma_wait3A_327 = arith.constant 0 : i32
    %dma_wait3A_328 = tpu.memref_slice %arg2[%add3A_326, %dma_wait3A_327] : memref<500000x64xf32, #tpu.memory_space<hbm>> -> memref<504x64xf32, #tpu.memory_space<hbm>>
    %dma_wait3A_329 = arith.constant 0 : i32
    %dma_wait3A_330 = tpu.memref_slice %arg2[%add3A_326, %dma_wait3A_329] : memref<500000x64xf32, #tpu.memory_space<hbm>> -> memref<504x64xf32, #tpu.memory_space<hbm>>
    tpu.wait_dma2 semaphore(%arg7 : memref<!tpu.dma_semaphore, #tpu.memory_space<semaphore_mem>>) src(%dma_wait3A_330 : memref<504x64xf32, #tpu.memory_space<hbm>>) dst(%arg5 : memref<504x64xf32, #tpu.memory_space<vmem>>)
    %add3A_331 = arith.constant 6552 : i32
    %add3A_332 = arith.addi %mul3A_2, %add3A_331 : i32
    %dma_start3A_333 = arith.constant 0 : i32
    %dma_start3A_334 = tpu.memref_slice %arg3[%add3A_332, %dma_start3A_333] : memref<500000x64xf32, #tpu.memory_space<hbm>> -> memref<504x64xf32, #tpu.memory_space<hbm>>
    %dma_start3A_335 = arith.constant 0 : i32
    %dma_start3A_336 = tpu.memref_slice %arg3[%add3A_332, %dma_start3A_335] : memref<500000x64xf32, #tpu.memory_space<hbm>> -> memref<504x64xf32, #tpu.memory_space<hbm>>
    tpu.enqueue_dma source(%arg5 : memref<504x64xf32, #tpu.memory_space<vmem>>) target(%dma_start3A_336 : memref<504x64xf32, #tpu.memory_space<hbm>>) target_semaphore(%arg9 : memref<!tpu.dma_semaphore, #tpu.memory_space<semaphore_mem>>)
    %add3A_337 = arith.constant 6552 : i32
    %add3A_338 = arith.addi %mul3A_2, %add3A_337 : i32
    %dma_wait3A_339 = arith.constant 0 : i32
    %dma_wait3A_340 = tpu.memref_slice %arg3[%add3A_338, %dma_wait3A_339] : memref<500000x64xf32, #tpu.memory_space<hbm>> -> memref<504x64xf32, #tpu.memory_space<hbm>>
    %dma_wait3A_341 = arith.constant 0 : i32
    %dma_wait3A_342 = tpu.memref_slice %arg3[%add3A_338, %dma_wait3A_341] : memref<500000x64xf32, #tpu.memory_space<hbm>> -> memref<504x64xf32, #tpu.memory_space<hbm>>
    tpu.wait_dma2 semaphore(%arg9 : memref<!tpu.dma_semaphore, #tpu.memory_space<semaphore_mem>>) src(%arg5 : memref<504x64xf32, #tpu.memory_space<vmem>>) dst(%dma_wait3A_342 : memref<504x64xf32, #tpu.memory_space<hbm>>)
    %add3A_343 = arith.constant 7560 : i32
    %add3A_344 = arith.addi %mul3A_2, %add3A_343 : i32
    %dma_start3A_345 = arith.constant 0 : i32
    %dma_start3A_346 = tpu.memref_slice %arg2[%add3A_344, %dma_start3A_345] : memref<500000x64xf32, #tpu.memory_space<hbm>> -> memref<504x64xf32, #tpu.memory_space<hbm>>
    %dma_start3A_347 = arith.constant 0 : i32
    %dma_start3A_348 = tpu.memref_slice %arg2[%add3A_344, %dma_start3A_347] : memref<500000x64xf32, #tpu.memory_space<hbm>> -> memref<504x64xf32, #tpu.memory_space<hbm>>
    tpu.enqueue_dma source(%dma_start3A_348 : memref<504x64xf32, #tpu.memory_space<hbm>>) target(%arg5 : memref<504x64xf32, #tpu.memory_space<vmem>>) target_semaphore(%arg7 : memref<!tpu.dma_semaphore, #tpu.memory_space<semaphore_mem>>)
    %add3A_349 = arith.constant 7056 : i32
    %add3A_350 = arith.addi %mul3A_2, %add3A_349 : i32
    %dma_wait3A_351 = arith.constant 0 : i32
    %dma_wait3A_352 = tpu.memref_slice %arg2[%add3A_350, %dma_wait3A_351] : memref<500000x64xf32, #tpu.memory_space<hbm>> -> memref<504x64xf32, #tpu.memory_space<hbm>>
    %dma_wait3A_353 = arith.constant 0 : i32
    %dma_wait3A_354 = tpu.memref_slice %arg2[%add3A_350, %dma_wait3A_353] : memref<500000x64xf32, #tpu.memory_space<hbm>> -> memref<504x64xf32, #tpu.memory_space<hbm>>
    tpu.wait_dma2 semaphore(%arg6 : memref<!tpu.dma_semaphore, #tpu.memory_space<semaphore_mem>>) src(%dma_wait3A_354 : memref<504x64xf32, #tpu.memory_space<hbm>>) dst(%arg4 : memref<504x64xf32, #tpu.memory_space<vmem>>)
    %add3A_355 = arith.constant 7056 : i32
    %add3A_356 = arith.addi %mul3A_2, %add3A_355 : i32
    %dma_start3A_357 = arith.constant 0 : i32
    %dma_start3A_358 = tpu.memref_slice %arg3[%add3A_356, %dma_start3A_357] : memref<500000x64xf32, #tpu.memory_space<hbm>> -> memref<504x64xf32, #tpu.memory_space<hbm>>
    %dma_start3A_359 = arith.constant 0 : i32
    %dma_start3A_360 = tpu.memref_slice %arg3[%add3A_356, %dma_start3A_359] : memref<500000x64xf32, #tpu.memory_space<hbm>> -> memref<504x64xf32, #tpu.memory_space<hbm>>
    tpu.enqueue_dma source(%arg4 : memref<504x64xf32, #tpu.memory_space<vmem>>) target(%dma_start3A_360 : memref<504x64xf32, #tpu.memory_space<hbm>>) target_semaphore(%arg8 : memref<!tpu.dma_semaphore, #tpu.memory_space<semaphore_mem>>)
    %add3A_361 = arith.constant 7056 : i32
    %add3A_362 = arith.addi %mul3A_2, %add3A_361 : i32
    %dma_wait3A_363 = arith.constant 0 : i32
    %dma_wait3A_364 = tpu.memref_slice %arg3[%add3A_362, %dma_wait3A_363] : memref<500000x64xf32, #tpu.memory_space<hbm>> -> memref<504x64xf32, #tpu.memory_space<hbm>>
    %dma_wait3A_365 = arith.constant 0 : i32
    %dma_wait3A_366 = tpu.memref_slice %arg3[%add3A_362, %dma_wait3A_365] : memref<500000x64xf32, #tpu.memory_space<hbm>> -> memref<504x64xf32, #tpu.memory_space<hbm>>
    tpu.wait_dma2 semaphore(%arg8 : memref<!tpu.dma_semaphore, #tpu.memory_space<semaphore_mem>>) src(%arg4 : memref<504x64xf32, #tpu.memory_space<vmem>>) dst(%dma_wait3A_366 : memref<504x64xf32, #tpu.memory_space<hbm>>)
    %add3A_367 = arith.constant 8064 : i32
    %add3A_368 = arith.addi %mul3A_2, %add3A_367 : i32
    %dma_start3A_369 = arith.constant 0 : i32
    %dma_start3A_370 = tpu.memref_slice %arg2[%add3A_368, %dma_start3A_369] : memref<500000x64xf32, #tpu.memory_space<hbm>> -> memref<504x64xf32, #tpu.memory_space<hbm>>
    %dma_start3A_371 = arith.constant 0 : i32
    %dma_start3A_372 = tpu.memref_slice %arg2[%add3A_368, %dma_start3A_371] : memref<500000x64xf32, #tpu.memory_space<hbm>> -> memref<504x64xf32, #tpu.memory_space<hbm>>
    tpu.enqueue_dma source(%dma_start3A_372 : memref<504x64xf32, #tpu.memory_space<hbm>>) target(%arg4 : memref<504x64xf32, #tpu.memory_space<vmem>>) target_semaphore(%arg6 : memref<!tpu.dma_semaphore, #tpu.memory_space<semaphore_mem>>)
    %add3A_373 = arith.constant 7560 : i32
    %add3A_374 = arith.addi %mul3A_2, %add3A_373 : i32
    %dma_wait3A_375 = arith.constant 0 : i32
    %dma_wait3A_376 = tpu.memref_slice %arg2[%add3A_374, %dma_wait3A_375] : memref<500000x64xf32, #tpu.memory_space<hbm>> -> memref<504x64xf32, #tpu.memory_space<hbm>>
    %dma_wait3A_377 = arith.constant 0 : i32
    %dma_wait3A_378 = tpu.memref_slice %arg2[%add3A_374, %dma_wait3A_377] : memref<500000x64xf32, #tpu.memory_space<hbm>> -> memref<504x64xf32, #tpu.memory_space<hbm>>
    tpu.wait_dma2 semaphore(%arg7 : memref<!tpu.dma_semaphore, #tpu.memory_space<semaphore_mem>>) src(%dma_wait3A_378 : memref<504x64xf32, #tpu.memory_space<hbm>>) dst(%arg5 : memref<504x64xf32, #tpu.memory_space<vmem>>)
    %add3A_379 = arith.constant 7560 : i32
    %add3A_380 = arith.addi %mul3A_2, %add3A_379 : i32
    %dma_start3A_381 = arith.constant 0 : i32
    %dma_start3A_382 = tpu.memref_slice %arg3[%add3A_380, %dma_start3A_381] : memref<500000x64xf32, #tpu.memory_space<hbm>> -> memref<504x64xf32, #tpu.memory_space<hbm>>
    %dma_start3A_383 = arith.constant 0 : i32
    %dma_start3A_384 = tpu.memref_slice %arg3[%add3A_380, %dma_start3A_383] : memref<500000x64xf32, #tpu.memory_space<hbm>> -> memref<504x64xf32, #tpu.memory_space<hbm>>
    tpu.enqueue_dma source(%arg5 : memref<504x64xf32, #tpu.memory_space<vmem>>) target(%dma_start3A_384 : memref<504x64xf32, #tpu.memory_space<hbm>>) target_semaphore(%arg9 : memref<!tpu.dma_semaphore, #tpu.memory_space<semaphore_mem>>)
    %add3A_385 = arith.constant 7560 : i32
    %add3A_386 = arith.addi %mul3A_2, %add3A_385 : i32
    %dma_wait3A_387 = arith.constant 0 : i32
    %dma_wait3A_388 = tpu.memref_slice %arg3[%add3A_386, %dma_wait3A_387] : memref<500000x64xf32, #tpu.memory_space<hbm>> -> memref<504x64xf32, #tpu.memory_space<hbm>>
    %dma_wait3A_389 = arith.constant 0 : i32
    %dma_wait3A_390 = tpu.memref_slice %arg3[%add3A_386, %dma_wait3A_389] : memref<500000x64xf32, #tpu.memory_space<hbm>> -> memref<504x64xf32, #tpu.memory_space<hbm>>
    tpu.wait_dma2 semaphore(%arg9 : memref<!tpu.dma_semaphore, #tpu.memory_space<semaphore_mem>>) src(%arg5 : memref<504x64xf32, #tpu.memory_space<vmem>>) dst(%dma_wait3A_390 : memref<504x64xf32, #tpu.memory_space<hbm>>)
    %add3A_391 = arith.constant 8568 : i32
    %add3A_392 = arith.addi %mul3A_2, %add3A_391 : i32
    %dma_start3A_393 = arith.constant 0 : i32
    %dma_start3A_394 = tpu.memref_slice %arg2[%add3A_392, %dma_start3A_393] : memref<500000x64xf32, #tpu.memory_space<hbm>> -> memref<504x64xf32, #tpu.memory_space<hbm>>
    %dma_start3A_395 = arith.constant 0 : i32
    %dma_start3A_396 = tpu.memref_slice %arg2[%add3A_392, %dma_start3A_395] : memref<500000x64xf32, #tpu.memory_space<hbm>> -> memref<504x64xf32, #tpu.memory_space<hbm>>
    tpu.enqueue_dma source(%dma_start3A_396 : memref<504x64xf32, #tpu.memory_space<hbm>>) target(%arg5 : memref<504x64xf32, #tpu.memory_space<vmem>>) target_semaphore(%arg7 : memref<!tpu.dma_semaphore, #tpu.memory_space<semaphore_mem>>)
    %add3A_397 = arith.constant 8064 : i32
    %add3A_398 = arith.addi %mul3A_2, %add3A_397 : i32
    %dma_wait3A_399 = arith.constant 0 : i32
    %dma_wait3A_400 = tpu.memref_slice %arg2[%add3A_398, %dma_wait3A_399] : memref<500000x64xf32, #tpu.memory_space<hbm>> -> memref<504x64xf32, #tpu.memory_space<hbm>>
    %dma_wait3A_401 = arith.constant 0 : i32
    %dma_wait3A_402 = tpu.memref_slice %arg2[%add3A_398, %dma_wait3A_401] : memref<500000x64xf32, #tpu.memory_space<hbm>> -> memref<504x64xf32, #tpu.memory_space<hbm>>
    tpu.wait_dma2 semaphore(%arg6 : memref<!tpu.dma_semaphore, #tpu.memory_space<semaphore_mem>>) src(%dma_wait3A_402 : memref<504x64xf32, #tpu.memory_space<hbm>>) dst(%arg4 : memref<504x64xf32, #tpu.memory_space<vmem>>)
    %add3A_403 = arith.constant 8064 : i32
    %add3A_404 = arith.addi %mul3A_2, %add3A_403 : i32
    %dma_start3A_405 = arith.constant 0 : i32
    %dma_start3A_406 = tpu.memref_slice %arg3[%add3A_404, %dma_start3A_405] : memref<500000x64xf32, #tpu.memory_space<hbm>> -> memref<504x64xf32, #tpu.memory_space<hbm>>
    %dma_start3A_407 = arith.constant 0 : i32
    %dma_start3A_408 = tpu.memref_slice %arg3[%add3A_404, %dma_start3A_407] : memref<500000x64xf32, #tpu.memory_space<hbm>> -> memref<504x64xf32, #tpu.memory_space<hbm>>
    tpu.enqueue_dma source(%arg4 : memref<504x64xf32, #tpu.memory_space<vmem>>) target(%dma_start3A_408 : memref<504x64xf32, #tpu.memory_space<hbm>>) target_semaphore(%arg8 : memref<!tpu.dma_semaphore, #tpu.memory_space<semaphore_mem>>)
    %add3A_409 = arith.constant 8064 : i32
    %add3A_410 = arith.addi %mul3A_2, %add3A_409 : i32
    %dma_wait3A_411 = arith.constant 0 : i32
    %dma_wait3A_412 = tpu.memref_slice %arg3[%add3A_410, %dma_wait3A_411] : memref<500000x64xf32, #tpu.memory_space<hbm>> -> memref<504x64xf32, #tpu.memory_space<hbm>>
    %dma_wait3A_413 = arith.constant 0 : i32
    %dma_wait3A_414 = tpu.memref_slice %arg3[%add3A_410, %dma_wait3A_413] : memref<500000x64xf32, #tpu.memory_space<hbm>> -> memref<504x64xf32, #tpu.memory_space<hbm>>
    tpu.wait_dma2 semaphore(%arg8 : memref<!tpu.dma_semaphore, #tpu.memory_space<semaphore_mem>>) src(%arg4 : memref<504x64xf32, #tpu.memory_space<vmem>>) dst(%dma_wait3A_414 : memref<504x64xf32, #tpu.memory_space<hbm>>)
    %add3A_415 = arith.constant 9072 : i32
    %add3A_416 = arith.addi %mul3A_2, %add3A_415 : i32
    %dma_start3A_417 = arith.constant 0 : i32
    %dma_start3A_418 = tpu.memref_slice %arg2[%add3A_416, %dma_start3A_417] : memref<500000x64xf32, #tpu.memory_space<hbm>> -> memref<504x64xf32, #tpu.memory_space<hbm>>
    %dma_start3A_419 = arith.constant 0 : i32
    %dma_start3A_420 = tpu.memref_slice %arg2[%add3A_416, %dma_start3A_419] : memref<500000x64xf32, #tpu.memory_space<hbm>> -> memref<504x64xf32, #tpu.memory_space<hbm>>
    tpu.enqueue_dma source(%dma_start3A_420 : memref<504x64xf32, #tpu.memory_space<hbm>>) target(%arg4 : memref<504x64xf32, #tpu.memory_space<vmem>>) target_semaphore(%arg6 : memref<!tpu.dma_semaphore, #tpu.memory_space<semaphore_mem>>)
    %add3A_421 = arith.constant 8568 : i32
    %add3A_422 = arith.addi %mul3A_2, %add3A_421 : i32
    %dma_wait3A_423 = arith.constant 0 : i32
    %dma_wait3A_424 = tpu.memref_slice %arg2[%add3A_422, %dma_wait3A_423] : memref<500000x64xf32, #tpu.memory_space<hbm>> -> memref<504x64xf32, #tpu.memory_space<hbm>>
    %dma_wait3A_425 = arith.constant 0 : i32
    %dma_wait3A_426 = tpu.memref_slice %arg2[%add3A_422, %dma_wait3A_425] : memref<500000x64xf32, #tpu.memory_space<hbm>> -> memref<504x64xf32, #tpu.memory_space<hbm>>
    tpu.wait_dma2 semaphore(%arg7 : memref<!tpu.dma_semaphore, #tpu.memory_space<semaphore_mem>>) src(%dma_wait3A_426 : memref<504x64xf32, #tpu.memory_space<hbm>>) dst(%arg5 : memref<504x64xf32, #tpu.memory_space<vmem>>)
    %add3A_427 = arith.constant 8568 : i32
    %add3A_428 = arith.addi %mul3A_2, %add3A_427 : i32
    %dma_start3A_429 = arith.constant 0 : i32
    %dma_start3A_430 = tpu.memref_slice %arg3[%add3A_428, %dma_start3A_429] : memref<500000x64xf32, #tpu.memory_space<hbm>> -> memref<504x64xf32, #tpu.memory_space<hbm>>
    %dma_start3A_431 = arith.constant 0 : i32
    %dma_start3A_432 = tpu.memref_slice %arg3[%add3A_428, %dma_start3A_431] : memref<500000x64xf32, #tpu.memory_space<hbm>> -> memref<504x64xf32, #tpu.memory_space<hbm>>
    tpu.enqueue_dma source(%arg5 : memref<504x64xf32, #tpu.memory_space<vmem>>) target(%dma_start3A_432 : memref<504x64xf32, #tpu.memory_space<hbm>>) target_semaphore(%arg9 : memref<!tpu.dma_semaphore, #tpu.memory_space<semaphore_mem>>)
    %add3A_433 = arith.constant 8568 : i32
    %add3A_434 = arith.addi %mul3A_2, %add3A_433 : i32
    %dma_wait3A_435 = arith.constant 0 : i32
    %dma_wait3A_436 = tpu.memref_slice %arg3[%add3A_434, %dma_wait3A_435] : memref<500000x64xf32, #tpu.memory_space<hbm>> -> memref<504x64xf32, #tpu.memory_space<hbm>>
    %dma_wait3A_437 = arith.constant 0 : i32
    %dma_wait3A_438 = tpu.memref_slice %arg3[%add3A_434, %dma_wait3A_437] : memref<500000x64xf32, #tpu.memory_space<hbm>> -> memref<504x64xf32, #tpu.memory_space<hbm>>
    tpu.wait_dma2 semaphore(%arg9 : memref<!tpu.dma_semaphore, #tpu.memory_space<semaphore_mem>>) src(%arg5 : memref<504x64xf32, #tpu.memory_space<vmem>>) dst(%dma_wait3A_438 : memref<504x64xf32, #tpu.memory_space<hbm>>)
    %add3A_439 = arith.constant 9576 : i32
    %add3A_440 = arith.addi %mul3A_2, %add3A_439 : i32
    %dma_start3A_441 = arith.constant 0 : i32
    %dma_start3A_442 = tpu.memref_slice %arg2[%add3A_440, %dma_start3A_441] : memref<500000x64xf32, #tpu.memory_space<hbm>> -> memref<504x64xf32, #tpu.memory_space<hbm>>
    %dma_start3A_443 = arith.constant 0 : i32
    %dma_start3A_444 = tpu.memref_slice %arg2[%add3A_440, %dma_start3A_443] : memref<500000x64xf32, #tpu.memory_space<hbm>> -> memref<504x64xf32, #tpu.memory_space<hbm>>
    tpu.enqueue_dma source(%dma_start3A_444 : memref<504x64xf32, #tpu.memory_space<hbm>>) target(%arg5 : memref<504x64xf32, #tpu.memory_space<vmem>>) target_semaphore(%arg7 : memref<!tpu.dma_semaphore, #tpu.memory_space<semaphore_mem>>)
    %add3A_445 = arith.constant 9072 : i32
    %add3A_446 = arith.addi %mul3A_2, %add3A_445 : i32
    %dma_wait3A_447 = arith.constant 0 : i32
    %dma_wait3A_448 = tpu.memref_slice %arg2[%add3A_446, %dma_wait3A_447] : memref<500000x64xf32, #tpu.memory_space<hbm>> -> memref<504x64xf32, #tpu.memory_space<hbm>>
    %dma_wait3A_449 = arith.constant 0 : i32
    %dma_wait3A_450 = tpu.memref_slice %arg2[%add3A_446, %dma_wait3A_449] : memref<500000x64xf32, #tpu.memory_space<hbm>> -> memref<504x64xf32, #tpu.memory_space<hbm>>
    tpu.wait_dma2 semaphore(%arg6 : memref<!tpu.dma_semaphore, #tpu.memory_space<semaphore_mem>>) src(%dma_wait3A_450 : memref<504x64xf32, #tpu.memory_space<hbm>>) dst(%arg4 : memref<504x64xf32, #tpu.memory_space<vmem>>)
    %add3A_451 = arith.constant 9072 : i32
    %add3A_452 = arith.addi %mul3A_2, %add3A_451 : i32
    %dma_start3A_453 = arith.constant 0 : i32
    %dma_start3A_454 = tpu.memref_slice %arg3[%add3A_452, %dma_start3A_453] : memref<500000x64xf32, #tpu.memory_space<hbm>> -> memref<504x64xf32, #tpu.memory_space<hbm>>
    %dma_start3A_455 = arith.constant 0 : i32
    %dma_start3A_456 = tpu.memref_slice %arg3[%add3A_452, %dma_start3A_455] : memref<500000x64xf32, #tpu.memory_space<hbm>> -> memref<504x64xf32, #tpu.memory_space<hbm>>
    tpu.enqueue_dma source(%arg4 : memref<504x64xf32, #tpu.memory_space<vmem>>) target(%dma_start3A_456 : memref<504x64xf32, #tpu.memory_space<hbm>>) target_semaphore(%arg8 : memref<!tpu.dma_semaphore, #tpu.memory_space<semaphore_mem>>)
    %add3A_457 = arith.constant 9072 : i32
    %add3A_458 = arith.addi %mul3A_2, %add3A_457 : i32
    %dma_wait3A_459 = arith.constant 0 : i32
    %dma_wait3A_460 = tpu.memref_slice %arg3[%add3A_458, %dma_wait3A_459] : memref<500000x64xf32, #tpu.memory_space<hbm>> -> memref<504x64xf32, #tpu.memory_space<hbm>>
    %dma_wait3A_461 = arith.constant 0 : i32
    %dma_wait3A_462 = tpu.memref_slice %arg3[%add3A_458, %dma_wait3A_461] : memref<500000x64xf32, #tpu.memory_space<hbm>> -> memref<504x64xf32, #tpu.memory_space<hbm>>
    tpu.wait_dma2 semaphore(%arg8 : memref<!tpu.dma_semaphore, #tpu.memory_space<semaphore_mem>>) src(%arg4 : memref<504x64xf32, #tpu.memory_space<vmem>>) dst(%dma_wait3A_462 : memref<504x64xf32, #tpu.memory_space<hbm>>)
    %add3A_463 = arith.constant 10080 : i32
    %add3A_464 = arith.addi %mul3A_2, %add3A_463 : i32
    %dma_start3A_465 = arith.constant 0 : i32
    %dma_start3A_466 = tpu.memref_slice %arg2[%add3A_464, %dma_start3A_465] : memref<500000x64xf32, #tpu.memory_space<hbm>> -> memref<504x64xf32, #tpu.memory_space<hbm>>
    %dma_start3A_467 = arith.constant 0 : i32
    %dma_start3A_468 = tpu.memref_slice %arg2[%add3A_464, %dma_start3A_467] : memref<500000x64xf32, #tpu.memory_space<hbm>> -> memref<504x64xf32, #tpu.memory_space<hbm>>
    tpu.enqueue_dma source(%dma_start3A_468 : memref<504x64xf32, #tpu.memory_space<hbm>>) target(%arg4 : memref<504x64xf32, #tpu.memory_space<vmem>>) target_semaphore(%arg6 : memref<!tpu.dma_semaphore, #tpu.memory_space<semaphore_mem>>)
    %add3A_469 = arith.constant 9576 : i32
    %add3A_470 = arith.addi %mul3A_2, %add3A_469 : i32
    %dma_wait3A_471 = arith.constant 0 : i32
    %dma_wait3A_472 = tpu.memref_slice %arg2[%add3A_470, %dma_wait3A_471] : memref<500000x64xf32, #tpu.memory_space<hbm>> -> memref<504x64xf32, #tpu.memory_space<hbm>>
    %dma_wait3A_473 = arith.constant 0 : i32
    %dma_wait3A_474 = tpu.memref_slice %arg2[%add3A_470, %dma_wait3A_473] : memref<500000x64xf32, #tpu.memory_space<hbm>> -> memref<504x64xf32, #tpu.memory_space<hbm>>
    tpu.wait_dma2 semaphore(%arg7 : memref<!tpu.dma_semaphore, #tpu.memory_space<semaphore_mem>>) src(%dma_wait3A_474 : memref<504x64xf32, #tpu.memory_space<hbm>>) dst(%arg5 : memref<504x64xf32, #tpu.memory_space<vmem>>)
    %add3A_475 = arith.constant 9576 : i32
    %add3A_476 = arith.addi %mul3A_2, %add3A_475 : i32
    %dma_start3A_477 = arith.constant 0 : i32
    %dma_start3A_478 = tpu.memref_slice %arg3[%add3A_476, %dma_start3A_477] : memref<500000x64xf32, #tpu.memory_space<hbm>> -> memref<504x64xf32, #tpu.memory_space<hbm>>
    %dma_start3A_479 = arith.constant 0 : i32
    %dma_start3A_480 = tpu.memref_slice %arg3[%add3A_476, %dma_start3A_479] : memref<500000x64xf32, #tpu.memory_space<hbm>> -> memref<504x64xf32, #tpu.memory_space<hbm>>
    tpu.enqueue_dma source(%arg5 : memref<504x64xf32, #tpu.memory_space<vmem>>) target(%dma_start3A_480 : memref<504x64xf32, #tpu.memory_space<hbm>>) target_semaphore(%arg9 : memref<!tpu.dma_semaphore, #tpu.memory_space<semaphore_mem>>)
    %add3A_481 = arith.constant 9576 : i32
    %add3A_482 = arith.addi %mul3A_2, %add3A_481 : i32
    %dma_wait3A_483 = arith.constant 0 : i32
    %dma_wait3A_484 = tpu.memref_slice %arg3[%add3A_482, %dma_wait3A_483] : memref<500000x64xf32, #tpu.memory_space<hbm>> -> memref<504x64xf32, #tpu.memory_space<hbm>>
    %dma_wait3A_485 = arith.constant 0 : i32
    %dma_wait3A_486 = tpu.memref_slice %arg3[%add3A_482, %dma_wait3A_485] : memref<500000x64xf32, #tpu.memory_space<hbm>> -> memref<504x64xf32, #tpu.memory_space<hbm>>
    tpu.wait_dma2 semaphore(%arg9 : memref<!tpu.dma_semaphore, #tpu.memory_space<semaphore_mem>>) src(%arg5 : memref<504x64xf32, #tpu.memory_space<vmem>>) dst(%dma_wait3A_486 : memref<504x64xf32, #tpu.memory_space<hbm>>)
    %add3A_487 = arith.constant 10584 : i32
    %add3A_488 = arith.addi %mul3A_2, %add3A_487 : i32
    %dma_start3A_489 = arith.constant 0 : i32
    %dma_start3A_490 = tpu.memref_slice %arg2[%add3A_488, %dma_start3A_489] : memref<500000x64xf32, #tpu.memory_space<hbm>> -> memref<504x64xf32, #tpu.memory_space<hbm>>
    %dma_start3A_491 = arith.constant 0 : i32
    %dma_start3A_492 = tpu.memref_slice %arg2[%add3A_488, %dma_start3A_491] : memref<500000x64xf32, #tpu.memory_space<hbm>> -> memref<504x64xf32, #tpu.memory_space<hbm>>
    tpu.enqueue_dma source(%dma_start3A_492 : memref<504x64xf32, #tpu.memory_space<hbm>>) target(%arg5 : memref<504x64xf32, #tpu.memory_space<vmem>>) target_semaphore(%arg7 : memref<!tpu.dma_semaphore, #tpu.memory_space<semaphore_mem>>)
    %add3A_493 = arith.constant 10080 : i32
    %add3A_494 = arith.addi %mul3A_2, %add3A_493 : i32
    %dma_wait3A_495 = arith.constant 0 : i32
    %dma_wait3A_496 = tpu.memref_slice %arg2[%add3A_494, %dma_wait3A_495] : memref<500000x64xf32, #tpu.memory_space<hbm>> -> memref<504x64xf32, #tpu.memory_space<hbm>>
    %dma_wait3A_497 = arith.constant 0 : i32
    %dma_wait3A_498 = tpu.memref_slice %arg2[%add3A_494, %dma_wait3A_497] : memref<500000x64xf32, #tpu.memory_space<hbm>> -> memref<504x64xf32, #tpu.memory_space<hbm>>
    tpu.wait_dma2 semaphore(%arg6 : memref<!tpu.dma_semaphore, #tpu.memory_space<semaphore_mem>>) src(%dma_wait3A_498 : memref<504x64xf32, #tpu.memory_space<hbm>>) dst(%arg4 : memref<504x64xf32, #tpu.memory_space<vmem>>)
    %add3A_499 = arith.constant 10080 : i32
    %add3A_500 = arith.addi %mul3A_2, %add3A_499 : i32
    %dma_start3A_501 = arith.constant 0 : i32
    %dma_start3A_502 = tpu.memref_slice %arg3[%add3A_500, %dma_start3A_501] : memref<500000x64xf32, #tpu.memory_space<hbm>> -> memref<504x64xf32, #tpu.memory_space<hbm>>
    %dma_start3A_503 = arith.constant 0 : i32
    %dma_start3A_504 = tpu.memref_slice %arg3[%add3A_500, %dma_start3A_503] : memref<500000x64xf32, #tpu.memory_space<hbm>> -> memref<504x64xf32, #tpu.memory_space<hbm>>
    tpu.enqueue_dma source(%arg4 : memref<504x64xf32, #tpu.memory_space<vmem>>) target(%dma_start3A_504 : memref<504x64xf32, #tpu.memory_space<hbm>>) target_semaphore(%arg8 : memref<!tpu.dma_semaphore, #tpu.memory_space<semaphore_mem>>)
    %add3A_505 = arith.constant 10080 : i32
    %add3A_506 = arith.addi %mul3A_2, %add3A_505 : i32
    %dma_wait3A_507 = arith.constant 0 : i32
    %dma_wait3A_508 = tpu.memref_slice %arg3[%add3A_506, %dma_wait3A_507] : memref<500000x64xf32, #tpu.memory_space<hbm>> -> memref<504x64xf32, #tpu.memory_space<hbm>>
    %dma_wait3A_509 = arith.constant 0 : i32
    %dma_wait3A_510 = tpu.memref_slice %arg3[%add3A_506, %dma_wait3A_509] : memref<500000x64xf32, #tpu.memory_space<hbm>> -> memref<504x64xf32, #tpu.memory_space<hbm>>
    tpu.wait_dma2 semaphore(%arg8 : memref<!tpu.dma_semaphore, #tpu.memory_space<semaphore_mem>>) src(%arg4 : memref<504x64xf32, #tpu.memory_space<vmem>>) dst(%dma_wait3A_510 : memref<504x64xf32, #tpu.memory_space<hbm>>)
    %add3A_511 = arith.constant 11088 : i32
    %add3A_512 = arith.addi %mul3A_2, %add3A_511 : i32
    %dma_start3A_513 = arith.constant 0 : i32
    %dma_start3A_514 = tpu.memref_slice %arg2[%add3A_512, %dma_start3A_513] : memref<500000x64xf32, #tpu.memory_space<hbm>> -> memref<504x64xf32, #tpu.memory_space<hbm>>
    %dma_start3A_515 = arith.constant 0 : i32
    %dma_start3A_516 = tpu.memref_slice %arg2[%add3A_512, %dma_start3A_515] : memref<500000x64xf32, #tpu.memory_space<hbm>> -> memref<504x64xf32, #tpu.memory_space<hbm>>
    tpu.enqueue_dma source(%dma_start3A_516 : memref<504x64xf32, #tpu.memory_space<hbm>>) target(%arg4 : memref<504x64xf32, #tpu.memory_space<vmem>>) target_semaphore(%arg6 : memref<!tpu.dma_semaphore, #tpu.memory_space<semaphore_mem>>)
    %add3A_517 = arith.constant 10584 : i32
    %add3A_518 = arith.addi %mul3A_2, %add3A_517 : i32
    %dma_wait3A_519 = arith.constant 0 : i32
    %dma_wait3A_520 = tpu.memref_slice %arg2[%add3A_518, %dma_wait3A_519] : memref<500000x64xf32, #tpu.memory_space<hbm>> -> memref<504x64xf32, #tpu.memory_space<hbm>>
    %dma_wait3A_521 = arith.constant 0 : i32
    %dma_wait3A_522 = tpu.memref_slice %arg2[%add3A_518, %dma_wait3A_521] : memref<500000x64xf32, #tpu.memory_space<hbm>> -> memref<504x64xf32, #tpu.memory_space<hbm>>
    tpu.wait_dma2 semaphore(%arg7 : memref<!tpu.dma_semaphore, #tpu.memory_space<semaphore_mem>>) src(%dma_wait3A_522 : memref<504x64xf32, #tpu.memory_space<hbm>>) dst(%arg5 : memref<504x64xf32, #tpu.memory_space<vmem>>)
    %add3A_523 = arith.constant 10584 : i32
    %add3A_524 = arith.addi %mul3A_2, %add3A_523 : i32
    %dma_start3A_525 = arith.constant 0 : i32
    %dma_start3A_526 = tpu.memref_slice %arg3[%add3A_524, %dma_start3A_525] : memref<500000x64xf32, #tpu.memory_space<hbm>> -> memref<504x64xf32, #tpu.memory_space<hbm>>
    %dma_start3A_527 = arith.constant 0 : i32
    %dma_start3A_528 = tpu.memref_slice %arg3[%add3A_524, %dma_start3A_527] : memref<500000x64xf32, #tpu.memory_space<hbm>> -> memref<504x64xf32, #tpu.memory_space<hbm>>
    tpu.enqueue_dma source(%arg5 : memref<504x64xf32, #tpu.memory_space<vmem>>) target(%dma_start3A_528 : memref<504x64xf32, #tpu.memory_space<hbm>>) target_semaphore(%arg9 : memref<!tpu.dma_semaphore, #tpu.memory_space<semaphore_mem>>)
    %add3A_529 = arith.constant 10584 : i32
    %add3A_530 = arith.addi %mul3A_2, %add3A_529 : i32
    %dma_wait3A_531 = arith.constant 0 : i32
    %dma_wait3A_532 = tpu.memref_slice %arg3[%add3A_530, %dma_wait3A_531] : memref<500000x64xf32, #tpu.memory_space<hbm>> -> memref<504x64xf32, #tpu.memory_space<hbm>>
    %dma_wait3A_533 = arith.constant 0 : i32
    %dma_wait3A_534 = tpu.memref_slice %arg3[%add3A_530, %dma_wait3A_533] : memref<500000x64xf32, #tpu.memory_space<hbm>> -> memref<504x64xf32, #tpu.memory_space<hbm>>
    tpu.wait_dma2 semaphore(%arg9 : memref<!tpu.dma_semaphore, #tpu.memory_space<semaphore_mem>>) src(%arg5 : memref<504x64xf32, #tpu.memory_space<vmem>>) dst(%dma_wait3A_534 : memref<504x64xf32, #tpu.memory_space<hbm>>)
    %add3A_535 = arith.constant 11592 : i32
    %add3A_536 = arith.addi %mul3A_2, %add3A_535 : i32
    %dma_start3A_537 = arith.constant 0 : i32
    %dma_start3A_538 = tpu.memref_slice %arg2[%add3A_536, %dma_start3A_537] : memref<500000x64xf32, #tpu.memory_space<hbm>> -> memref<504x64xf32, #tpu.memory_space<hbm>>
    %dma_start3A_539 = arith.constant 0 : i32
    %dma_start3A_540 = tpu.memref_slice %arg2[%add3A_536, %dma_start3A_539] : memref<500000x64xf32, #tpu.memory_space<hbm>> -> memref<504x64xf32, #tpu.memory_space<hbm>>
    tpu.enqueue_dma source(%dma_start3A_540 : memref<504x64xf32, #tpu.memory_space<hbm>>) target(%arg5 : memref<504x64xf32, #tpu.memory_space<vmem>>) target_semaphore(%arg7 : memref<!tpu.dma_semaphore, #tpu.memory_space<semaphore_mem>>)
    %add3A_541 = arith.constant 11088 : i32
    %add3A_542 = arith.addi %mul3A_2, %add3A_541 : i32
    %dma_wait3A_543 = arith.constant 0 : i32
    %dma_wait3A_544 = tpu.memref_slice %arg2[%add3A_542, %dma_wait3A_543] : memref<500000x64xf32, #tpu.memory_space<hbm>> -> memref<504x64xf32, #tpu.memory_space<hbm>>
    %dma_wait3A_545 = arith.constant 0 : i32
    %dma_wait3A_546 = tpu.memref_slice %arg2[%add3A_542, %dma_wait3A_545] : memref<500000x64xf32, #tpu.memory_space<hbm>> -> memref<504x64xf32, #tpu.memory_space<hbm>>
    tpu.wait_dma2 semaphore(%arg6 : memref<!tpu.dma_semaphore, #tpu.memory_space<semaphore_mem>>) src(%dma_wait3A_546 : memref<504x64xf32, #tpu.memory_space<hbm>>) dst(%arg4 : memref<504x64xf32, #tpu.memory_space<vmem>>)
    %add3A_547 = arith.constant 11088 : i32
    %add3A_548 = arith.addi %mul3A_2, %add3A_547 : i32
    %dma_start3A_549 = arith.constant 0 : i32
    %dma_start3A_550 = tpu.memref_slice %arg3[%add3A_548, %dma_start3A_549] : memref<500000x64xf32, #tpu.memory_space<hbm>> -> memref<504x64xf32, #tpu.memory_space<hbm>>
    %dma_start3A_551 = arith.constant 0 : i32
    %dma_start3A_552 = tpu.memref_slice %arg3[%add3A_548, %dma_start3A_551] : memref<500000x64xf32, #tpu.memory_space<hbm>> -> memref<504x64xf32, #tpu.memory_space<hbm>>
    tpu.enqueue_dma source(%arg4 : memref<504x64xf32, #tpu.memory_space<vmem>>) target(%dma_start3A_552 : memref<504x64xf32, #tpu.memory_space<hbm>>) target_semaphore(%arg8 : memref<!tpu.dma_semaphore, #tpu.memory_space<semaphore_mem>>)
    %add3A_553 = arith.constant 11088 : i32
    %add3A_554 = arith.addi %mul3A_2, %add3A_553 : i32
    %dma_wait3A_555 = arith.constant 0 : i32
    %dma_wait3A_556 = tpu.memref_slice %arg3[%add3A_554, %dma_wait3A_555] : memref<500000x64xf32, #tpu.memory_space<hbm>> -> memref<504x64xf32, #tpu.memory_space<hbm>>
    %dma_wait3A_557 = arith.constant 0 : i32
    %dma_wait3A_558 = tpu.memref_slice %arg3[%add3A_554, %dma_wait3A_557] : memref<500000x64xf32, #tpu.memory_space<hbm>> -> memref<504x64xf32, #tpu.memory_space<hbm>>
    tpu.wait_dma2 semaphore(%arg8 : memref<!tpu.dma_semaphore, #tpu.memory_space<semaphore_mem>>) src(%arg4 : memref<504x64xf32, #tpu.memory_space<vmem>>) dst(%dma_wait3A_558 : memref<504x64xf32, #tpu.memory_space<hbm>>)
    %add3A_559 = arith.constant 12096 : i32
    %add3A_560 = arith.addi %mul3A_2, %add3A_559 : i32
    %dma_start3A_561 = arith.constant 0 : i32
    %dma_start3A_562 = tpu.memref_slice %arg2[%add3A_560, %dma_start3A_561] : memref<500000x64xf32, #tpu.memory_space<hbm>> -> memref<504x64xf32, #tpu.memory_space<hbm>>
    %dma_start3A_563 = arith.constant 0 : i32
    %dma_start3A_564 = tpu.memref_slice %arg2[%add3A_560, %dma_start3A_563] : memref<500000x64xf32, #tpu.memory_space<hbm>> -> memref<504x64xf32, #tpu.memory_space<hbm>>
    tpu.enqueue_dma source(%dma_start3A_564 : memref<504x64xf32, #tpu.memory_space<hbm>>) target(%arg4 : memref<504x64xf32, #tpu.memory_space<vmem>>) target_semaphore(%arg6 : memref<!tpu.dma_semaphore, #tpu.memory_space<semaphore_mem>>)
    %add3A_565 = arith.constant 11592 : i32
    %add3A_566 = arith.addi %mul3A_2, %add3A_565 : i32
    %dma_wait3A_567 = arith.constant 0 : i32
    %dma_wait3A_568 = tpu.memref_slice %arg2[%add3A_566, %dma_wait3A_567] : memref<500000x64xf32, #tpu.memory_space<hbm>> -> memref<504x64xf32, #tpu.memory_space<hbm>>
    %dma_wait3A_569 = arith.constant 0 : i32
    %dma_wait3A_570 = tpu.memref_slice %arg2[%add3A_566, %dma_wait3A_569] : memref<500000x64xf32, #tpu.memory_space<hbm>> -> memref<504x64xf32, #tpu.memory_space<hbm>>
    tpu.wait_dma2 semaphore(%arg7 : memref<!tpu.dma_semaphore, #tpu.memory_space<semaphore_mem>>) src(%dma_wait3A_570 : memref<504x64xf32, #tpu.memory_space<hbm>>) dst(%arg5 : memref<504x64xf32, #tpu.memory_space<vmem>>)
    %add3A_571 = arith.constant 11592 : i32
    %add3A_572 = arith.addi %mul3A_2, %add3A_571 : i32
    %dma_start3A_573 = arith.constant 0 : i32
    %dma_start3A_574 = tpu.memref_slice %arg3[%add3A_572, %dma_start3A_573] : memref<500000x64xf32, #tpu.memory_space<hbm>> -> memref<504x64xf32, #tpu.memory_space<hbm>>
    %dma_start3A_575 = arith.constant 0 : i32
    %dma_start3A_576 = tpu.memref_slice %arg3[%add3A_572, %dma_start3A_575] : memref<500000x64xf32, #tpu.memory_space<hbm>> -> memref<504x64xf32, #tpu.memory_space<hbm>>
    tpu.enqueue_dma source(%arg5 : memref<504x64xf32, #tpu.memory_space<vmem>>) target(%dma_start3A_576 : memref<504x64xf32, #tpu.memory_space<hbm>>) target_semaphore(%arg9 : memref<!tpu.dma_semaphore, #tpu.memory_space<semaphore_mem>>)
    %add3A_577 = arith.constant 11592 : i32
    %add3A_578 = arith.addi %mul3A_2, %add3A_577 : i32
    %dma_wait3A_579 = arith.constant 0 : i32
    %dma_wait3A_580 = tpu.memref_slice %arg3[%add3A_578, %dma_wait3A_579] : memref<500000x64xf32, #tpu.memory_space<hbm>> -> memref<504x64xf32, #tpu.memory_space<hbm>>
    %dma_wait3A_581 = arith.constant 0 : i32
    %dma_wait3A_582 = tpu.memref_slice %arg3[%add3A_578, %dma_wait3A_581] : memref<500000x64xf32, #tpu.memory_space<hbm>> -> memref<504x64xf32, #tpu.memory_space<hbm>>
    tpu.wait_dma2 semaphore(%arg9 : memref<!tpu.dma_semaphore, #tpu.memory_space<semaphore_mem>>) src(%arg5 : memref<504x64xf32, #tpu.memory_space<vmem>>) dst(%dma_wait3A_582 : memref<504x64xf32, #tpu.memory_space<hbm>>)
    %add3A_583 = arith.constant 12600 : i32
    %add3A_584 = arith.addi %mul3A_2, %add3A_583 : i32
    %dma_start3A_585 = arith.constant 0 : i32
    %dma_start3A_586 = tpu.memref_slice %arg2[%add3A_584, %dma_start3A_585] : memref<500000x64xf32, #tpu.memory_space<hbm>> -> memref<504x64xf32, #tpu.memory_space<hbm>>
    %dma_start3A_587 = arith.constant 0 : i32
    %dma_start3A_588 = tpu.memref_slice %arg2[%add3A_584, %dma_start3A_587] : memref<500000x64xf32, #tpu.memory_space<hbm>> -> memref<504x64xf32, #tpu.memory_space<hbm>>
    tpu.enqueue_dma source(%dma_start3A_588 : memref<504x64xf32, #tpu.memory_space<hbm>>) target(%arg5 : memref<504x64xf32, #tpu.memory_space<vmem>>) target_semaphore(%arg7 : memref<!tpu.dma_semaphore, #tpu.memory_space<semaphore_mem>>)
    %add3A_589 = arith.constant 12096 : i32
    %add3A_590 = arith.addi %mul3A_2, %add3A_589 : i32
    %dma_wait3A_591 = arith.constant 0 : i32
    %dma_wait3A_592 = tpu.memref_slice %arg2[%add3A_590, %dma_wait3A_591] : memref<500000x64xf32, #tpu.memory_space<hbm>> -> memref<504x64xf32, #tpu.memory_space<hbm>>
    %dma_wait3A_593 = arith.constant 0 : i32
    %dma_wait3A_594 = tpu.memref_slice %arg2[%add3A_590, %dma_wait3A_593] : memref<500000x64xf32, #tpu.memory_space<hbm>> -> memref<504x64xf32, #tpu.memory_space<hbm>>
    tpu.wait_dma2 semaphore(%arg6 : memref<!tpu.dma_semaphore, #tpu.memory_space<semaphore_mem>>) src(%dma_wait3A_594 : memref<504x64xf32, #tpu.memory_space<hbm>>) dst(%arg4 : memref<504x64xf32, #tpu.memory_space<vmem>>)
    %add3A_595 = arith.constant 12096 : i32
    %add3A_596 = arith.addi %mul3A_2, %add3A_595 : i32
    %dma_start3A_597 = arith.constant 0 : i32
    %dma_start3A_598 = tpu.memref_slice %arg3[%add3A_596, %dma_start3A_597] : memref<500000x64xf32, #tpu.memory_space<hbm>> -> memref<504x64xf32, #tpu.memory_space<hbm>>
    %dma_start3A_599 = arith.constant 0 : i32
    %dma_start3A_600 = tpu.memref_slice %arg3[%add3A_596, %dma_start3A_599] : memref<500000x64xf32, #tpu.memory_space<hbm>> -> memref<504x64xf32, #tpu.memory_space<hbm>>
    tpu.enqueue_dma source(%arg4 : memref<504x64xf32, #tpu.memory_space<vmem>>) target(%dma_start3A_600 : memref<504x64xf32, #tpu.memory_space<hbm>>) target_semaphore(%arg8 : memref<!tpu.dma_semaphore, #tpu.memory_space<semaphore_mem>>)
    %add3A_601 = arith.constant 12096 : i32
    %add3A_602 = arith.addi %mul3A_2, %add3A_601 : i32
    %dma_wait3A_603 = arith.constant 0 : i32
    %dma_wait3A_604 = tpu.memref_slice %arg3[%add3A_602, %dma_wait3A_603] : memref<500000x64xf32, #tpu.memory_space<hbm>> -> memref<504x64xf32, #tpu.memory_space<hbm>>
    %dma_wait3A_605 = arith.constant 0 : i32
    %dma_wait3A_606 = tpu.memref_slice %arg3[%add3A_602, %dma_wait3A_605] : memref<500000x64xf32, #tpu.memory_space<hbm>> -> memref<504x64xf32, #tpu.memory_space<hbm>>
    tpu.wait_dma2 semaphore(%arg8 : memref<!tpu.dma_semaphore, #tpu.memory_space<semaphore_mem>>) src(%arg4 : memref<504x64xf32, #tpu.memory_space<vmem>>) dst(%dma_wait3A_606 : memref<504x64xf32, #tpu.memory_space<hbm>>)
    %add3A_607 = arith.constant 13104 : i32
    %add3A_608 = arith.addi %mul3A_2, %add3A_607 : i32
    %dma_start3A_609 = arith.constant 0 : i32
    %dma_start3A_610 = tpu.memref_slice %arg2[%add3A_608, %dma_start3A_609] : memref<500000x64xf32, #tpu.memory_space<hbm>> -> memref<504x64xf32, #tpu.memory_space<hbm>>
    %dma_start3A_611 = arith.constant 0 : i32
    %dma_start3A_612 = tpu.memref_slice %arg2[%add3A_608, %dma_start3A_611] : memref<500000x64xf32, #tpu.memory_space<hbm>> -> memref<504x64xf32, #tpu.memory_space<hbm>>
    tpu.enqueue_dma source(%dma_start3A_612 : memref<504x64xf32, #tpu.memory_space<hbm>>) target(%arg4 : memref<504x64xf32, #tpu.memory_space<vmem>>) target_semaphore(%arg6 : memref<!tpu.dma_semaphore, #tpu.memory_space<semaphore_mem>>)
    %add3A_613 = arith.constant 12600 : i32
    %add3A_614 = arith.addi %mul3A_2, %add3A_613 : i32
    %dma_wait3A_615 = arith.constant 0 : i32
    %dma_wait3A_616 = tpu.memref_slice %arg2[%add3A_614, %dma_wait3A_615] : memref<500000x64xf32, #tpu.memory_space<hbm>> -> memref<504x64xf32, #tpu.memory_space<hbm>>
    %dma_wait3A_617 = arith.constant 0 : i32
    %dma_wait3A_618 = tpu.memref_slice %arg2[%add3A_614, %dma_wait3A_617] : memref<500000x64xf32, #tpu.memory_space<hbm>> -> memref<504x64xf32, #tpu.memory_space<hbm>>
    tpu.wait_dma2 semaphore(%arg7 : memref<!tpu.dma_semaphore, #tpu.memory_space<semaphore_mem>>) src(%dma_wait3A_618 : memref<504x64xf32, #tpu.memory_space<hbm>>) dst(%arg5 : memref<504x64xf32, #tpu.memory_space<vmem>>)
    %add3A_619 = arith.constant 12600 : i32
    %add3A_620 = arith.addi %mul3A_2, %add3A_619 : i32
    %dma_start3A_621 = arith.constant 0 : i32
    %dma_start3A_622 = tpu.memref_slice %arg3[%add3A_620, %dma_start3A_621] : memref<500000x64xf32, #tpu.memory_space<hbm>> -> memref<504x64xf32, #tpu.memory_space<hbm>>
    %dma_start3A_623 = arith.constant 0 : i32
    %dma_start3A_624 = tpu.memref_slice %arg3[%add3A_620, %dma_start3A_623] : memref<500000x64xf32, #tpu.memory_space<hbm>> -> memref<504x64xf32, #tpu.memory_space<hbm>>
    tpu.enqueue_dma source(%arg5 : memref<504x64xf32, #tpu.memory_space<vmem>>) target(%dma_start3A_624 : memref<504x64xf32, #tpu.memory_space<hbm>>) target_semaphore(%arg9 : memref<!tpu.dma_semaphore, #tpu.memory_space<semaphore_mem>>)
    %add3A_625 = arith.constant 12600 : i32
    %add3A_626 = arith.addi %mul3A_2, %add3A_625 : i32
    %dma_wait3A_627 = arith.constant 0 : i32
    %dma_wait3A_628 = tpu.memref_slice %arg3[%add3A_626, %dma_wait3A_627] : memref<500000x64xf32, #tpu.memory_space<hbm>> -> memref<504x64xf32, #tpu.memory_space<hbm>>
    %dma_wait3A_629 = arith.constant 0 : i32
    %dma_wait3A_630 = tpu.memref_slice %arg3[%add3A_626, %dma_wait3A_629] : memref<500000x64xf32, #tpu.memory_space<hbm>> -> memref<504x64xf32, #tpu.memory_space<hbm>>
    tpu.wait_dma2 semaphore(%arg9 : memref<!tpu.dma_semaphore, #tpu.memory_space<semaphore_mem>>) src(%arg5 : memref<504x64xf32, #tpu.memory_space<vmem>>) dst(%dma_wait3A_630 : memref<504x64xf32, #tpu.memory_space<hbm>>)
    %add3A_631 = arith.constant 13608 : i32
    %add3A_632 = arith.addi %mul3A_2, %add3A_631 : i32
    %dma_start3A_633 = arith.constant 0 : i32
    %dma_start3A_634 = tpu.memref_slice %arg2[%add3A_632, %dma_start3A_633] : memref<500000x64xf32, #tpu.memory_space<hbm>> -> memref<504x64xf32, #tpu.memory_space<hbm>>
    %dma_start3A_635 = arith.constant 0 : i32
    %dma_start3A_636 = tpu.memref_slice %arg2[%add3A_632, %dma_start3A_635] : memref<500000x64xf32, #tpu.memory_space<hbm>> -> memref<504x64xf32, #tpu.memory_space<hbm>>
    tpu.enqueue_dma source(%dma_start3A_636 : memref<504x64xf32, #tpu.memory_space<hbm>>) target(%arg5 : memref<504x64xf32, #tpu.memory_space<vmem>>) target_semaphore(%arg7 : memref<!tpu.dma_semaphore, #tpu.memory_space<semaphore_mem>>)
    %add3A_637 = arith.constant 13104 : i32
    %add3A_638 = arith.addi %mul3A_2, %add3A_637 : i32
    %dma_wait3A_639 = arith.constant 0 : i32
    %dma_wait3A_640 = tpu.memref_slice %arg2[%add3A_638, %dma_wait3A_639] : memref<500000x64xf32, #tpu.memory_space<hbm>> -> memref<504x64xf32, #tpu.memory_space<hbm>>
    %dma_wait3A_641 = arith.constant 0 : i32
    %dma_wait3A_642 = tpu.memref_slice %arg2[%add3A_638, %dma_wait3A_641] : memref<500000x64xf32, #tpu.memory_space<hbm>> -> memref<504x64xf32, #tpu.memory_space<hbm>>
    tpu.wait_dma2 semaphore(%arg6 : memref<!tpu.dma_semaphore, #tpu.memory_space<semaphore_mem>>) src(%dma_wait3A_642 : memref<504x64xf32, #tpu.memory_space<hbm>>) dst(%arg4 : memref<504x64xf32, #tpu.memory_space<vmem>>)
    %add3A_643 = arith.constant 13104 : i32
    %add3A_644 = arith.addi %mul3A_2, %add3A_643 : i32
    %dma_start3A_645 = arith.constant 0 : i32
    %dma_start3A_646 = tpu.memref_slice %arg3[%add3A_644, %dma_start3A_645] : memref<500000x64xf32, #tpu.memory_space<hbm>> -> memref<504x64xf32, #tpu.memory_space<hbm>>
    %dma_start3A_647 = arith.constant 0 : i32
    %dma_start3A_648 = tpu.memref_slice %arg3[%add3A_644, %dma_start3A_647] : memref<500000x64xf32, #tpu.memory_space<hbm>> -> memref<504x64xf32, #tpu.memory_space<hbm>>
    tpu.enqueue_dma source(%arg4 : memref<504x64xf32, #tpu.memory_space<vmem>>) target(%dma_start3A_648 : memref<504x64xf32, #tpu.memory_space<hbm>>) target_semaphore(%arg8 : memref<!tpu.dma_semaphore, #tpu.memory_space<semaphore_mem>>)
    %add3A_649 = arith.constant 13104 : i32
    %add3A_650 = arith.addi %mul3A_2, %add3A_649 : i32
    %dma_wait3A_651 = arith.constant 0 : i32
    %dma_wait3A_652 = tpu.memref_slice %arg3[%add3A_650, %dma_wait3A_651] : memref<500000x64xf32, #tpu.memory_space<hbm>> -> memref<504x64xf32, #tpu.memory_space<hbm>>
    %dma_wait3A_653 = arith.constant 0 : i32
    %dma_wait3A_654 = tpu.memref_slice %arg3[%add3A_650, %dma_wait3A_653] : memref<500000x64xf32, #tpu.memory_space<hbm>> -> memref<504x64xf32, #tpu.memory_space<hbm>>
    tpu.wait_dma2 semaphore(%arg8 : memref<!tpu.dma_semaphore, #tpu.memory_space<semaphore_mem>>) src(%arg4 : memref<504x64xf32, #tpu.memory_space<vmem>>) dst(%dma_wait3A_654 : memref<504x64xf32, #tpu.memory_space<hbm>>)
    %add3A_655 = arith.constant 14112 : i32
    %add3A_656 = arith.addi %mul3A_2, %add3A_655 : i32
    %dma_start3A_657 = arith.constant 0 : i32
    %dma_start3A_658 = tpu.memref_slice %arg2[%add3A_656, %dma_start3A_657] : memref<500000x64xf32, #tpu.memory_space<hbm>> -> memref<504x64xf32, #tpu.memory_space<hbm>>
    %dma_start3A_659 = arith.constant 0 : i32
    %dma_start3A_660 = tpu.memref_slice %arg2[%add3A_656, %dma_start3A_659] : memref<500000x64xf32, #tpu.memory_space<hbm>> -> memref<504x64xf32, #tpu.memory_space<hbm>>
    tpu.enqueue_dma source(%dma_start3A_660 : memref<504x64xf32, #tpu.memory_space<hbm>>) target(%arg4 : memref<504x64xf32, #tpu.memory_space<vmem>>) target_semaphore(%arg6 : memref<!tpu.dma_semaphore, #tpu.memory_space<semaphore_mem>>)
    %add3A_661 = arith.constant 13608 : i32
    %add3A_662 = arith.addi %mul3A_2, %add3A_661 : i32
    %dma_wait3A_663 = arith.constant 0 : i32
    %dma_wait3A_664 = tpu.memref_slice %arg2[%add3A_662, %dma_wait3A_663] : memref<500000x64xf32, #tpu.memory_space<hbm>> -> memref<504x64xf32, #tpu.memory_space<hbm>>
    %dma_wait3A_665 = arith.constant 0 : i32
    %dma_wait3A_666 = tpu.memref_slice %arg2[%add3A_662, %dma_wait3A_665] : memref<500000x64xf32, #tpu.memory_space<hbm>> -> memref<504x64xf32, #tpu.memory_space<hbm>>
    tpu.wait_dma2 semaphore(%arg7 : memref<!tpu.dma_semaphore, #tpu.memory_space<semaphore_mem>>) src(%dma_wait3A_666 : memref<504x64xf32, #tpu.memory_space<hbm>>) dst(%arg5 : memref<504x64xf32, #tpu.memory_space<vmem>>)
    %add3A_667 = arith.constant 13608 : i32
    %add3A_668 = arith.addi %mul3A_2, %add3A_667 : i32
    %dma_start3A_669 = arith.constant 0 : i32
    %dma_start3A_670 = tpu.memref_slice %arg3[%add3A_668, %dma_start3A_669] : memref<500000x64xf32, #tpu.memory_space<hbm>> -> memref<504x64xf32, #tpu.memory_space<hbm>>
    %dma_start3A_671 = arith.constant 0 : i32
    %dma_start3A_672 = tpu.memref_slice %arg3[%add3A_668, %dma_start3A_671] : memref<500000x64xf32, #tpu.memory_space<hbm>> -> memref<504x64xf32, #tpu.memory_space<hbm>>
    tpu.enqueue_dma source(%arg5 : memref<504x64xf32, #tpu.memory_space<vmem>>) target(%dma_start3A_672 : memref<504x64xf32, #tpu.memory_space<hbm>>) target_semaphore(%arg9 : memref<!tpu.dma_semaphore, #tpu.memory_space<semaphore_mem>>)
    %add3A_673 = arith.constant 13608 : i32
    %add3A_674 = arith.addi %mul3A_2, %add3A_673 : i32
    %dma_wait3A_675 = arith.constant 0 : i32
    %dma_wait3A_676 = tpu.memref_slice %arg3[%add3A_674, %dma_wait3A_675] : memref<500000x64xf32, #tpu.memory_space<hbm>> -> memref<504x64xf32, #tpu.memory_space<hbm>>
    %dma_wait3A_677 = arith.constant 0 : i32
    %dma_wait3A_678 = tpu.memref_slice %arg3[%add3A_674, %dma_wait3A_677] : memref<500000x64xf32, #tpu.memory_space<hbm>> -> memref<504x64xf32, #tpu.memory_space<hbm>>
    tpu.wait_dma2 semaphore(%arg9 : memref<!tpu.dma_semaphore, #tpu.memory_space<semaphore_mem>>) src(%arg5 : memref<504x64xf32, #tpu.memory_space<vmem>>) dst(%dma_wait3A_678 : memref<504x64xf32, #tpu.memory_space<hbm>>)
    %add3A_679 = arith.constant 14616 : i32
    %add3A_680 = arith.addi %mul3A_2, %add3A_679 : i32
    %dma_start3A_681 = arith.constant 0 : i32
    %dma_start3A_682 = tpu.memref_slice %arg2[%add3A_680, %dma_start3A_681] : memref<500000x64xf32, #tpu.memory_space<hbm>> -> memref<504x64xf32, #tpu.memory_space<hbm>>
    %dma_start3A_683 = arith.constant 0 : i32
    %dma_start3A_684 = tpu.memref_slice %arg2[%add3A_680, %dma_start3A_683] : memref<500000x64xf32, #tpu.memory_space<hbm>> -> memref<504x64xf32, #tpu.memory_space<hbm>>
    tpu.enqueue_dma source(%dma_start3A_684 : memref<504x64xf32, #tpu.memory_space<hbm>>) target(%arg5 : memref<504x64xf32, #tpu.memory_space<vmem>>) target_semaphore(%arg7 : memref<!tpu.dma_semaphore, #tpu.memory_space<semaphore_mem>>)
    %add3A_685 = arith.constant 14112 : i32
    %add3A_686 = arith.addi %mul3A_2, %add3A_685 : i32
    %dma_wait3A_687 = arith.constant 0 : i32
    %dma_wait3A_688 = tpu.memref_slice %arg2[%add3A_686, %dma_wait3A_687] : memref<500000x64xf32, #tpu.memory_space<hbm>> -> memref<504x64xf32, #tpu.memory_space<hbm>>
    %dma_wait3A_689 = arith.constant 0 : i32
    %dma_wait3A_690 = tpu.memref_slice %arg2[%add3A_686, %dma_wait3A_689] : memref<500000x64xf32, #tpu.memory_space<hbm>> -> memref<504x64xf32, #tpu.memory_space<hbm>>
    tpu.wait_dma2 semaphore(%arg6 : memref<!tpu.dma_semaphore, #tpu.memory_space<semaphore_mem>>) src(%dma_wait3A_690 : memref<504x64xf32, #tpu.memory_space<hbm>>) dst(%arg4 : memref<504x64xf32, #tpu.memory_space<vmem>>)
    %add3A_691 = arith.constant 14112 : i32
    %add3A_692 = arith.addi %mul3A_2, %add3A_691 : i32
    %dma_start3A_693 = arith.constant 0 : i32
    %dma_start3A_694 = tpu.memref_slice %arg3[%add3A_692, %dma_start3A_693] : memref<500000x64xf32, #tpu.memory_space<hbm>> -> memref<504x64xf32, #tpu.memory_space<hbm>>
    %dma_start3A_695 = arith.constant 0 : i32
    %dma_start3A_696 = tpu.memref_slice %arg3[%add3A_692, %dma_start3A_695] : memref<500000x64xf32, #tpu.memory_space<hbm>> -> memref<504x64xf32, #tpu.memory_space<hbm>>
    tpu.enqueue_dma source(%arg4 : memref<504x64xf32, #tpu.memory_space<vmem>>) target(%dma_start3A_696 : memref<504x64xf32, #tpu.memory_space<hbm>>) target_semaphore(%arg8 : memref<!tpu.dma_semaphore, #tpu.memory_space<semaphore_mem>>)
    %add3A_697 = arith.constant 14112 : i32
    %add3A_698 = arith.addi %mul3A_2, %add3A_697 : i32
    %dma_wait3A_699 = arith.constant 0 : i32
    %dma_wait3A_700 = tpu.memref_slice %arg3[%add3A_698, %dma_wait3A_699] : memref<500000x64xf32, #tpu.memory_space<hbm>> -> memref<504x64xf32, #tpu.memory_space<hbm>>
    %dma_wait3A_701 = arith.constant 0 : i32
    %dma_wait3A_702 = tpu.memref_slice %arg3[%add3A_698, %dma_wait3A_701] : memref<500000x64xf32, #tpu.memory_space<hbm>> -> memref<504x64xf32, #tpu.memory_space<hbm>>
    tpu.wait_dma2 semaphore(%arg8 : memref<!tpu.dma_semaphore, #tpu.memory_space<semaphore_mem>>) src(%arg4 : memref<504x64xf32, #tpu.memory_space<vmem>>) dst(%dma_wait3A_702 : memref<504x64xf32, #tpu.memory_space<hbm>>)
    %add3A_703 = arith.constant 15120 : i32
    %add3A_704 = arith.addi %mul3A_2, %add3A_703 : i32
    %dma_start3A_705 = arith.constant 0 : i32
    %dma_start3A_706 = tpu.memref_slice %arg2[%add3A_704, %dma_start3A_705] : memref<500000x64xf32, #tpu.memory_space<hbm>> -> memref<504x64xf32, #tpu.memory_space<hbm>>
    %dma_start3A_707 = arith.constant 0 : i32
    %dma_start3A_708 = tpu.memref_slice %arg2[%add3A_704, %dma_start3A_707] : memref<500000x64xf32, #tpu.memory_space<hbm>> -> memref<504x64xf32, #tpu.memory_space<hbm>>
    tpu.enqueue_dma source(%dma_start3A_708 : memref<504x64xf32, #tpu.memory_space<hbm>>) target(%arg4 : memref<504x64xf32, #tpu.memory_space<vmem>>) target_semaphore(%arg6 : memref<!tpu.dma_semaphore, #tpu.memory_space<semaphore_mem>>)
    %add3A_709 = arith.constant 14616 : i32
    %add3A_710 = arith.addi %mul3A_2, %add3A_709 : i32
    %dma_wait3A_711 = arith.constant 0 : i32
    %dma_wait3A_712 = tpu.memref_slice %arg2[%add3A_710, %dma_wait3A_711] : memref<500000x64xf32, #tpu.memory_space<hbm>> -> memref<504x64xf32, #tpu.memory_space<hbm>>
    %dma_wait3A_713 = arith.constant 0 : i32
    %dma_wait3A_714 = tpu.memref_slice %arg2[%add3A_710, %dma_wait3A_713] : memref<500000x64xf32, #tpu.memory_space<hbm>> -> memref<504x64xf32, #tpu.memory_space<hbm>>
    tpu.wait_dma2 semaphore(%arg7 : memref<!tpu.dma_semaphore, #tpu.memory_space<semaphore_mem>>) src(%dma_wait3A_714 : memref<504x64xf32, #tpu.memory_space<hbm>>) dst(%arg5 : memref<504x64xf32, #tpu.memory_space<vmem>>)
    %add3A_715 = arith.constant 14616 : i32
    %add3A_716 = arith.addi %mul3A_2, %add3A_715 : i32
    %dma_start3A_717 = arith.constant 0 : i32
    %dma_start3A_718 = tpu.memref_slice %arg3[%add3A_716, %dma_start3A_717] : memref<500000x64xf32, #tpu.memory_space<hbm>> -> memref<504x64xf32, #tpu.memory_space<hbm>>
    %dma_start3A_719 = arith.constant 0 : i32
    %dma_start3A_720 = tpu.memref_slice %arg3[%add3A_716, %dma_start3A_719] : memref<500000x64xf32, #tpu.memory_space<hbm>> -> memref<504x64xf32, #tpu.memory_space<hbm>>
    tpu.enqueue_dma source(%arg5 : memref<504x64xf32, #tpu.memory_space<vmem>>) target(%dma_start3A_720 : memref<504x64xf32, #tpu.memory_space<hbm>>) target_semaphore(%arg9 : memref<!tpu.dma_semaphore, #tpu.memory_space<semaphore_mem>>)
    %add3A_721 = arith.constant 14616 : i32
    %add3A_722 = arith.addi %mul3A_2, %add3A_721 : i32
    %dma_wait3A_723 = arith.constant 0 : i32
    %dma_wait3A_724 = tpu.memref_slice %arg3[%add3A_722, %dma_wait3A_723] : memref<500000x64xf32, #tpu.memory_space<hbm>> -> memref<504x64xf32, #tpu.memory_space<hbm>>
    %dma_wait3A_725 = arith.constant 0 : i32
    %dma_wait3A_726 = tpu.memref_slice %arg3[%add3A_722, %dma_wait3A_725] : memref<500000x64xf32, #tpu.memory_space<hbm>> -> memref<504x64xf32, #tpu.memory_space<hbm>>
    tpu.wait_dma2 semaphore(%arg9 : memref<!tpu.dma_semaphore, #tpu.memory_space<semaphore_mem>>) src(%arg5 : memref<504x64xf32, #tpu.memory_space<vmem>>) dst(%dma_wait3A_726 : memref<504x64xf32, #tpu.memory_space<hbm>>)
    %add3A_727 = arith.constant 15120 : i32
    %add3A_728 = arith.addi %mul3A_2, %add3A_727 : i32
    %dma_wait3A_729 = arith.constant 0 : i32
    %dma_wait3A_730 = tpu.memref_slice %arg2[%add3A_728, %dma_wait3A_729] : memref<500000x64xf32, #tpu.memory_space<hbm>> -> memref<504x64xf32, #tpu.memory_space<hbm>>
    %dma_wait3A_731 = arith.constant 0 : i32
    %dma_wait3A_732 = tpu.memref_slice %arg2[%add3A_728, %dma_wait3A_731] : memref<500000x64xf32, #tpu.memory_space<hbm>> -> memref<504x64xf32, #tpu.memory_space<hbm>>
    tpu.wait_dma2 semaphore(%arg6 : memref<!tpu.dma_semaphore, #tpu.memory_space<semaphore_mem>>) src(%dma_wait3A_732 : memref<504x64xf32, #tpu.memory_space<hbm>>) dst(%arg4 : memref<504x64xf32, #tpu.memory_space<vmem>>)
    %add3A_733 = arith.constant 15120 : i32
    %add3A_734 = arith.addi %mul3A_2, %add3A_733 : i32
    %dma_start3A_735 = arith.constant 0 : i32
    %dma_start3A_736 = tpu.memref_slice %arg3[%add3A_734, %dma_start3A_735] : memref<500000x64xf32, #tpu.memory_space<hbm>> -> memref<504x64xf32, #tpu.memory_space<hbm>>
    %dma_start3A_737 = arith.constant 0 : i32
    %dma_start3A_738 = tpu.memref_slice %arg3[%add3A_734, %dma_start3A_737] : memref<500000x64xf32, #tpu.memory_space<hbm>> -> memref<504x64xf32, #tpu.memory_space<hbm>>
    tpu.enqueue_dma source(%arg4 : memref<504x64xf32, #tpu.memory_space<vmem>>) target(%dma_start3A_738 : memref<504x64xf32, #tpu.memory_space<hbm>>) target_semaphore(%arg8 : memref<!tpu.dma_semaphore, #tpu.memory_space<semaphore_mem>>)
    %add3A_739 = arith.constant 15120 : i32
    %add3A_740 = arith.addi %mul3A_2, %add3A_739 : i32
    %dma_wait3A_741 = arith.constant 0 : i32
    %dma_wait3A_742 = tpu.memref_slice %arg3[%add3A_740, %dma_wait3A_741] : memref<500000x64xf32, #tpu.memory_space<hbm>> -> memref<504x64xf32, #tpu.memory_space<hbm>>
    %dma_wait3A_743 = arith.constant 0 : i32
    %dma_wait3A_744 = tpu.memref_slice %arg3[%add3A_740, %dma_wait3A_743] : memref<500000x64xf32, #tpu.memory_space<hbm>> -> memref<504x64xf32, #tpu.memory_space<hbm>>
    tpu.wait_dma2 semaphore(%arg8 : memref<!tpu.dma_semaphore, #tpu.memory_space<semaphore_mem>>) src(%arg4 : memref<504x64xf32, #tpu.memory_space<vmem>>) dst(%dma_wait3A_744 : memref<504x64xf32, #tpu.memory_space<hbm>>)
    %eq3A = arith.constant 31 : i32
    %eq3A_745 = arith.cmpi eq, %add3A, %eq3A : i32
    %convert_element_type3A = arith.extui %eq3A_745 : i1 to i32
    %cond3A = arith.constant 0 : i32
    %cond3A_746 = arith.cmpi ne, %convert_element_type3A, %cond3A : i32
    scf.if %cond3A_746 {
      %dma_start3A_747 = arith.constant 0 : i32
      %dma_start3A_748 = arith.constant 0 : i32
      %dma_start3A_749 = tpu.memref_slice %arg4[%dma_start3A_747, %dma_start3A_748] : memref<504x64xf32, #tpu.memory_space<vmem>> -> memref<32x64xf32, #tpu.memory_space<vmem>>
      %dma_start3A_750 = arith.constant 499968 : i32
      %dma_start3A_751 = arith.constant 0 : i32
      %dma_start3A_752 = tpu.memref_slice %arg2[%dma_start3A_750, %dma_start3A_751] : memref<500000x64xf32, #tpu.memory_space<hbm>> -> memref<32x64xf32, #tpu.memory_space<hbm>>
      %dma_start3A_753 = arith.constant 0 : i32
      %dma_start3A_754 = arith.constant 0 : i32
      %dma_start3A_755 = tpu.memref_slice %arg4[%dma_start3A_753, %dma_start3A_754] : memref<504x64xf32, #tpu.memory_space<vmem>> -> memref<32x64xf32, #tpu.memory_space<vmem>>
      %dma_start3A_756 = arith.constant 499968 : i32
      %dma_start3A_757 = arith.constant 0 : i32
      %dma_start3A_758 = tpu.memref_slice %arg2[%dma_start3A_756, %dma_start3A_757] : memref<500000x64xf32, #tpu.memory_space<hbm>> -> memref<32x64xf32, #tpu.memory_space<hbm>>
      tpu.enqueue_dma source(%dma_start3A_758 : memref<32x64xf32, #tpu.memory_space<hbm>>) target(%dma_start3A_755 : memref<32x64xf32, #tpu.memory_space<vmem>>) target_semaphore(%arg6 : memref<!tpu.dma_semaphore, #tpu.memory_space<semaphore_mem>>)
      %dma_wait3A_759 = arith.constant 0 : i32
      %dma_wait3A_760 = arith.constant 0 : i32
      %dma_wait3A_761 = tpu.memref_slice %arg4[%dma_wait3A_759, %dma_wait3A_760] : memref<504x64xf32, #tpu.memory_space<vmem>> -> memref<32x64xf32, #tpu.memory_space<vmem>>
      %dma_wait3A_762 = arith.constant 499968 : i32
      %dma_wait3A_763 = arith.constant 0 : i32
      %dma_wait3A_764 = tpu.memref_slice %arg2[%dma_wait3A_762, %dma_wait3A_763] : memref<500000x64xf32, #tpu.memory_space<hbm>> -> memref<32x64xf32, #tpu.memory_space<hbm>>
      %dma_wait3A_765 = arith.constant 0 : i32
      %dma_wait3A_766 = arith.constant 0 : i32
      %dma_wait3A_767 = tpu.memref_slice %arg4[%dma_wait3A_765, %dma_wait3A_766] : memref<504x64xf32, #tpu.memory_space<vmem>> -> memref<32x64xf32, #tpu.memory_space<vmem>>
      %dma_wait3A_768 = arith.constant 499968 : i32
      %dma_wait3A_769 = arith.constant 0 : i32
      %dma_wait3A_770 = tpu.memref_slice %arg2[%dma_wait3A_768, %dma_wait3A_769] : memref<500000x64xf32, #tpu.memory_space<hbm>> -> memref<32x64xf32, #tpu.memory_space<hbm>>
      tpu.wait_dma2 semaphore(%arg6 : memref<!tpu.dma_semaphore, #tpu.memory_space<semaphore_mem>>) src(%dma_wait3A_770 : memref<32x64xf32, #tpu.memory_space<hbm>>) dst(%dma_wait3A_767 : memref<32x64xf32, #tpu.memory_space<vmem>>)
      %dma_start3A_771 = arith.constant 0 : i32
      %dma_start3A_772 = arith.constant 0 : i32
      %dma_start3A_773 = tpu.memref_slice %arg4[%dma_start3A_771, %dma_start3A_772] : memref<504x64xf32, #tpu.memory_space<vmem>> -> memref<32x64xf32, #tpu.memory_space<vmem>>
      %dma_start3A_774 = arith.constant 499968 : i32
      %dma_start3A_775 = arith.constant 0 : i32
      %dma_start3A_776 = tpu.memref_slice %arg3[%dma_start3A_774, %dma_start3A_775] : memref<500000x64xf32, #tpu.memory_space<hbm>> -> memref<32x64xf32, #tpu.memory_space<hbm>>
      %dma_start3A_777 = arith.constant 499968 : i32
      %dma_start3A_778 = arith.constant 0 : i32
      %dma_start3A_779 = tpu.memref_slice %arg3[%dma_start3A_777, %dma_start3A_778] : memref<500000x64xf32, #tpu.memory_space<hbm>> -> memref<32x64xf32, #tpu.memory_space<hbm>>
      %dma_start3A_780 = arith.constant 0 : i32
      %dma_start3A_781 = arith.constant 0 : i32
      %dma_start3A_782 = tpu.memref_slice %arg4[%dma_start3A_780, %dma_start3A_781] : memref<504x64xf32, #tpu.memory_space<vmem>> -> memref<32x64xf32, #tpu.memory_space<vmem>>
      tpu.enqueue_dma source(%dma_start3A_782 : memref<32x64xf32, #tpu.memory_space<vmem>>) target(%dma_start3A_779 : memref<32x64xf32, #tpu.memory_space<hbm>>) target_semaphore(%arg8 : memref<!tpu.dma_semaphore, #tpu.memory_space<semaphore_mem>>)
      %dma_wait3A_783 = arith.constant 0 : i32
      %dma_wait3A_784 = arith.constant 0 : i32
      %dma_wait3A_785 = tpu.memref_slice %arg4[%dma_wait3A_783, %dma_wait3A_784] : memref<504x64xf32, #tpu.memory_space<vmem>> -> memref<32x64xf32, #tpu.memory_space<vmem>>
      %dma_wait3A_786 = arith.constant 499968 : i32
      %dma_wait3A_787 = arith.constant 0 : i32
      %dma_wait3A_788 = tpu.memref_slice %arg3[%dma_wait3A_786, %dma_wait3A_787] : memref<500000x64xf32, #tpu.memory_space<hbm>> -> memref<32x64xf32, #tpu.memory_space<hbm>>
      %dma_wait3A_789 = arith.constant 499968 : i32
      %dma_wait3A_790 = arith.constant 0 : i32
      %dma_wait3A_791 = tpu.memref_slice %arg3[%dma_wait3A_789, %dma_wait3A_790] : memref<500000x64xf32, #tpu.memory_space<hbm>> -> memref<32x64xf32, #tpu.memory_space<hbm>>
      %dma_wait3A_792 = arith.constant 0 : i32
      %dma_wait3A_793 = arith.constant 0 : i32
      %dma_wait3A_794 = tpu.memref_slice %arg4[%dma_wait3A_792, %dma_wait3A_793] : memref<504x64xf32, #tpu.memory_space<vmem>> -> memref<32x64xf32, #tpu.memory_space<vmem>>
      tpu.wait_dma2 semaphore(%arg8 : memref<!tpu.dma_semaphore, #tpu.memory_space<semaphore_mem>>) src(%dma_wait3A_794 : memref<32x64xf32, #tpu.memory_space<vmem>>) dst(%dma_wait3A_791 : memref<32x64xf32, #tpu.memory_space<hbm>>)
    } else {
    }
    return
  }
}

</mosaic_0001>

<sc_bundles>
// kernel: kernel.3.cloned.1.call-start
scs
__scs_entry_jumppad:
0x0: {  	(pc) =	sbr.rel $0x88, $3  }
0x1: {  	(tag) =	ssettag $0x0;
	lr =	simm.s32 $0x1  }
0x2: {  	[smem:$0x3FA0] =	sst lr;
	_ =	strace $0xD0000000  }
0x3: {  	_ = 	snop  }
0x4: {  	_ = 	snop  }
0x5: {  	_ = 	snop  }
0x6: {  	_ = 	snop  }
0x7: {  	_ = 	snop  }
__scs_overlays_trampoline_lowered:
0x8: {  	[smem:$0x3FAF] =	sst s0  }
0x9: {  	[smem:$0x3FB0] =	sst s1  }
0xa: {  	[smem:$0x3FB1] =	sst s2  }
0xb: {  	[smem:$0x3FB2] =	sst s3  }
0xc: {  	[smem:$0x3FB3] =	sst s4  }
0xd: {  	[smem:$0x3FB4] =	sst s5  }
0xe: {  	[smem:$0x3FB5] =	sst s6  }
0xf: {  	[smem:$0x3FB6] =	sst s7  }
0x10: {  	[smem:$0x3FB7] =	sst s8  }
0x11: {  	[smem:$0x3FB8] =	sst s9;
	s0 =	simm.s32 @!p0 $0x0  }
0x12: {  	s1 =	sld [smem:$0x3F9E];
	s0 =	simm.s32 @p0 $0x1  }
0x13: {  	[smem:$0x3FB9] =	sst s0;
	s0 =	simm.s32 @!p1 $0x0  }
0x14: {  	s2 =	sld [smem:$0x3F9D];
	s0 =	simm.s32 @p1 $0x1  }
0x15: {  	[smem:$0x3FBA] =	sst s0;
	s0 =	simm.s32 @!p2 $0x0  }
0x16: {  	s3 =	sld [smem:$0x3FDB];
	s0 =	simm.s32 @p2 $0x1  }
0x17: {  	s4 =	simm.s32 $0x1BF5;
	[smem:$0x3FBC] =	sst s0  }
0x18: {  	s0 =	sld [smem:$0x3F9F];
	_ =	swait.ge [sflag:s4], $0x0  }
0x19: {  	s7 =	sld [smem:$0x3FA0]  }
0x1a: {  	s8 =	sadd.s32 $0xFFFFE003, lr  }
0x1b: {  	s9 =	sadd.s32 $0xFFFFFEF7, lr;
	s5 =	simm.s32 $0xFFFFFFFF;
	p2 =	slt.u32 s8, $0xFFFFF086  }
0x1c: {  	p1 =	slt.u32 s9, $0xF7A;
	s5 =	simm.s32 @!p2 $0x0  }
0x1d: {  	s5 =	simm.s32 @p1 $0x1;
	p0 =	seq.s32 s7, s2  }
0x1e: {  	s7 =	smul.u32 @!p0 $0xF7A, s2;
	p2 =	seq.s32 @!p0 s5, $0x0  }
0x1f: {  	s9 =	smul.u32 $0xF7A, s1;
	s8 =	simm.s32 @!p0 $0x1BF5;
	p2 =	por !p2, p0  }
0x20: {  	[sflag:s8] =	ssyncset.s32 @!p0 $0xFFFFF086;
	s6 =	sadd.s32 @!p0 s3, s7;
	s7 =	simm.s32 @!p0 $0x108  }
0x21: {  	s3 =	sadd.s32 s3, s9;
	s6 =	sadd.s32 @!p0 $0x88, s6;
	s7 =	simm.s32 @p2 $0x1082  }
0x22: {  	[simem:s7], [sflag:s8] =	dma.local @!p0 [hbm:s6], $0xF7A  }
0x23: {  	s9 =	sor.u32 $0xD0000000, s2;
	s6 =	simm.s32 $0x108;
	_ =	swait.ge @!p0 [sflag:s8], $0x0  }
0x24: {  	s3 =	sadd.s32 $0x88, s3;
	s6 =	simm.s32 @!p1 $0x1082;
	[sflag:s4] =	ssyncset.s32 $0xFFFFF086  }
0x25: {  	[simem:s6], [sflag:s4] =	dma.local [hbm:s3], $0xF7A  }
0x26: {  	[smem:$0x3FA0] =	sst s1;
	(tag) =	ssettag s2;
	_ =	strace s9  }
0x27: {  	s1 =	sld [smem:$0x3FB0]  }
0x28: {  	s2 =	sld [smem:$0x3FB1]  }
0x29: {  	s4 =	sld [smem:$0x3FB3]  }
0x2a: {  	p0 =	seq.s32 s5, $0x0;
	s5 =	sld [smem:$0x3FB4]  }
0x2b: {  	s6 =	sld [smem:$0x3FB5]  }
0x2c: {  	s7 =	sld [smem:$0x3FB6]  }
0x2d: {  	s3 =	simm.s32 $0x108;
	s8 =	sld [smem:$0x3FB7]  }
0x2e: {  	s3 =	simm.s32 @!p0 $0x1082;
	s9 =	sld [smem:$0x3FB8]  }
0x2f: {  	lr =	sadd.s32 s0, s3;
	s0 =	sld [smem:$0x3FAF]  }
0x30: {  	s3 =	sld [smem:$0x3FB2]  }
0x31: {  	[smem:$0x3FBB] =	sst s10  }
0x32: {  	s10 =	sld [smem:$0x3FB9];
	_ =	sdelay $0x3  }
0x33: {  	p0 =	seq.s32 s10, $0x1;
	s10 =	sld [smem:$0x3FBB];
	_ =	sdelay $0x3  }
0x34: {  	[smem:$0x3FBB] =	sst s10  }
0x35: {  	s10 =	sld [smem:$0x3FBA];
	_ =	sdelay $0x3  }
0x36: {  	p1 =	seq.s32 s10, $0x1;
	s10 =	sld [smem:$0x3FBB];
	_ =	sdelay $0x3  }
0x37: {  	[smem:$0x3FBB] =	sst s10  }
0x38: {  	s10 =	sld [smem:$0x3FBC]  }
0x39: {  	_ = 	snop;
	(pc) =	sbr.ind lr, $3  }
0x3a: {  	_ = 	snop  }
0x3b: {  	_ = 	snop  }
0x3c: {  	p2 =	seq.s32 s10, $0x1;
	s10 =	sld [smem:$0x3FBB]  }
0x3d: {  	_ =	shalt  }
0x3e: {  	_ =	shalt  }
0x3f: {  	_ =	shalt  }
0x40: {  	_ =	shalt  }
0x41: {  	_ =	shalt  }
0x42: {  	_ =	shalt  }
0x43: {  	_ =	shalt  }
0x44: {  	_ =	shalt  }
0x45: {  	_ =	shalt  }
0x46: {  	_ =	shalt  }
0x47: {  	_ =	shalt  }
0x48: {  	_ =	shalt  }
0x49: {  	_ =	shalt  }
0x4a: {  	_ =	shalt  }
0x4b: {  	_ =	shalt  }
0x4c: {  	_ =	shalt  }
0x4d: {  	_ =	shalt  }
0x4e: {  	_ =	shalt  }
0x4f: {  	_ =	shalt  }
0x50: {  	_ =	shalt  }
0x51: {  	_ =	shalt  }
0x52: {  	_ =	shalt  }
0x53: {  	_ =	shalt  }
0x54: {  	_ =	shalt  }
0x55: {  	_ =	shalt  }
0x56: {  	_ =	shalt  }
0x57: {  	_ =	shalt  }
0x58: {  	_ =	shalt  }
0x59: {  	_ =	shalt  }
0x5a: {  	_ =	shalt  }
0x5b: {  	_ =	shalt  }
0x5c: {  	_ =	shalt  }
0x5d: {  	_ =	shalt  }
0x5e: {  	_ =	shalt  }
0x5f: {  	_ =	shalt  }
0x60: {  	_ =	shalt  }
0x61: {  	_ =	shalt  }
0x62: {  	_ =	shalt  }
0x63: {  	_ =	shalt  }
0x64: {  	_ =	shalt  }
0x65: {  	_ =	shalt  }
0x66: {  	_ =	shalt  }
0x67: {  	_ =	shalt  }
0x68: {  	_ =	shalt  }
0x69: {  	_ =	shalt  }
0x6a: {  	_ =	shalt  }
0x6b: {  	_ =	shalt  }
0x6c: {  	_ =	shalt  }
0x6d: {  	_ =	shalt  }
0x6e: {  	_ =	shalt  }
0x6f: {  	_ =	shalt  }
0x70: {  	_ =	shalt  }
0x71: {  	_ =	shalt  }
0x72: {  	_ =	shalt  }
0x73: {  	_ =	shalt  }
0x74: {  	_ =	shalt  }
0x75: {  	_ =	shalt  }
0x76: {  	_ =	shalt  }
0x77: {  	_ =	shalt  }
0x78: {  	_ =	shalt  }
0x79: {  	_ =	shalt  }
0x7a: {  	_ =	shalt  }
0x7b: {  	_ =	shalt  }
0x7c: {  	_ =	shalt  }
0x7d: {  	_ =	shalt  }
0x7e: {  	_ =	shalt  }
0x7f: {  	_ =	shalt  }
0x80: {  	_ =	shalt  }
0x81: {  	_ =	shalt  }
0x82: {  	_ =	shalt  }
0x83: {  	_ =	shalt  }
0x84: {  	_ =	shalt  }
0x85: {  	_ =	shalt  }
0x86: {  	_ =	shalt  }
0x87: {  	_ =	shalt  }
.Lfunc_end0:
.L_simem_size_0:
called_computation_lowered:
.L_overlay_start_0:
0x88: {  	s2 =	sld [smem:$0x3FD9]  }
0x89: {  	s3 =	sld [smem:$0x3FFE];
	_ =	sdelay $0x1  }
0x8a: {  	s1 =	srdreg.scid  }
0x8b: {  	s0 =	sand.u32 $0x1, s1  }
0x8c: {  	s16 =	sshll.u32 s0, $0xA;
	s2 =	sadd.s32 s3, s2  }
0x8d: {  	s2 =	sadd.s32 s2, s16  }
0x8e: {  	[smem:$0x3FC7] =	sst s2  }
0x8f: {  	_ = 	snop  }
0x90: {  	(tm) =	ssettm $0x1  }
0x91: {  	s17 =	sld [smem:$0x3FFB];
	_ =	sdelay $0x3  }
0x92: {  	_ =	strace s17  }
0x93: {  	s2 =	sld [smem:$0x3FFC];
	_ =	sdelay $0x3  }
0x94: {  	_ =	strace s2  }
0x95: {  	s2 =	sld [smem:$0x3FFD];
	_ =	sdelay $0x3  }
0x96: {  	_ =	strace s2  }
0x97: {  	_ =	strace $0x8FFFFFFF  }
0x98: {  	s18 =	sld [smem:$0x3FDB];
	_ =	sdelay $0x1  }
0x99: {  	s19 =	simm.s32 $_scs_section_size  }
0x9a: {  	s4 =	simm.s32 $_size__tile_overlayer_lowered;
	s5 =	simm.s32 $_tile_overlayer_lowered  }
0x9b: {  	s22 =	simm.s32 $0x1BFF;
	s21 =	sshll.u32 s5, $0x1;
	s2 =	sadd.s32 s19, s18  }
0x9c: {  	s6 =	simm.s32 $0x0;
	s20 =	sshll.u32 s4, $0x1;
	s4 =	sadd.s32 s21, s2  }
0x9d: {  	[timem:s6], [sflag:s22] =	dma.local [hbm:s4], s20  }
0x9e: {  	_ =	swait.ge [sflag:s22], s20  }
0x9f: {  	s3 =	ssub.s32 $0x0, s20;
	[sflag:s22] =	ssyncset.done $0x0  }
0xa0: {  	[sflag:s22] =	ssyncadd.s32 s3;
	_ =	sdelay $0x1  }
0xa1: {  	s23 =	simm.s32 $0x1B8B  }
0xa2: {  	_ =	swait.ge [sflag:s23], $0x1  }
0xa3: {  	[sflag:s23] =	ssyncset.done $0x0  }
0xa4: {  	s25 =	simm.s32 $0x1B8E;
	s24 =	sld [smem:$0x3FFE];
	[sflag:s23] =	ssyncadd.s32 $0xFFFFFFFF  }
0xa5: {  	s26 =	simm.s32 $execute0_lowered;
	[smem:$0x3FD2] =	sst s25  }
0xa6: {  	s4 =	sshll.u32 s26, $0x1;
	_ =	strace $0x80000046;
	[dreg:$0x1] =	wrdreg $0xFFFFFFFF  }
0xa7: {  	s28 =	simm.s32 $_size_execute0_lowered;
	s2 =	sadd.s32 s2, s4;
	[dreg:$0x0] =	wrdreg $0x0  }
0xa8: {  	s4 =	sshll.u32 s28, $0x1;
	[dreg:$0x2] =	wrdreg s2  }
0xa9: {  	[dreg:$0x3] =	wrdreg s4  }
0xaa: {  	[dreg:$0x4] =	wrdreg $0xC0  }
0xab: {  	_ =	task [dreg:s6], $0x5FFFF  }
0xac: {  	[dreg:$0x1] =	wrdreg $0xFFFFFFFF  }
0xad: {  	[dreg:$0x0] =	wrdreg $0x60  }
0xae: {  	[dreg:$0x2] =	wrdreg s24  }
0xaf: {  	[dreg:$0x3] =	wrdreg $0x9  }
0xb0: {  	_ =	task.clear_ibuf [dreg:s6], $0x4FFFF;
	_ =	strace $0x90000046  }
0xb1: {  	s29 =	simm.s32 $0x9;
	_ =	strace $0x80000048  }
0xb2: {  	_ =	swait.ge [sflag:s29], $0x1  }
0xb3: {  	[sflag:s29] =	ssyncadd.s32 $0xFFFFFFFF  }
0xb4: {  	_ =	strace $0x90000048  }
0xb5: {  	_ =	sfence  }
0xb6: {  	s30 =	sld [smem:$0x0];
	_ =	sdelay $0x2  }
0xb7: {  	s31 =	sshll.u32 s1, $0xD;
	s1 =	sshrl.u32 s1, $0x2  }
0xb8: {  	s3 =	sand.u32 $0x4000, s31;
	s1 =	sadd.s32 s1, s30  }
0xb9: {  	s0 =	sor.u32 s3, s0;
	s1 =	sshll.u32 s1, $0x11  }
0xba: {  	s0 =	sor.u32 s1, s0  }
0xbb: {  	s0 =	sadd.s32 $0x8F2B, s0  }
0xbc: {  	[sflag:s0] =	ssyncadd.remote.s32 $0x1  }
0xbd: {  	_ =	sfence.sel $0xFFFF  }
0xbe: {  	[dreg:$0x0] =	wrdreg $0xFFFFFFFF;
	(pc) =	sbr.abs _section_cstart, $3  }
0xbf: {  	[dreg:$0x1] =	wrdreg $0xFFFFFFFF  }
0xc0: {  	_ =	task.clear_ibuf [dreg:s6], $0x2FFFF;
	_ =	strace $0x9FFFFFFF  }
0xc1: {  	(tm) =	ssettm $0x7FFFFFFF  }
tec
execute0_lowered:
.L_overlay_start_1:
0x0: {  	(tag) =	ssettag $0x1  }
0x1: {  	s0 =	srdreg.scid;
	s29 =	stileid.u32  }
0x2: {  	s7 =	sand.u32 $0x1, s0;
	s23 =	sshll.u32 s29, $0x1  }
0x3: {  	s3 =	rddreg [dreg:$0x0];
	s1 =	sor.u32 s7, s23  }
0x4: {  	s31 =	rddreg [dreg:$0x1];
	s2 =	simm.s32 $0x0;
	s8 =	smul.u32 $0x3D080, s1  }
0x5: {  	[smem:$0x7FF] =	sst s2;
	s4 =	sadd.s32 $0x400, s3;
	s0 =	smul.u32 $0x1E8400, s1  }
0x6: {  	s5 =	sadd.s32 $0x7A1600, s3;
	_ =	strace $0x80000047;
	s24 =	sadd.s32 s4, s8  }
0x7: {  	s6 =	sshrl.u32 s0, $0x3;
	s26 =	sadd.s32 s5, s8;
	[dreg:$0x2] =	wrdreg s24  }
0x8: {  	s9 =	sadd.s32 $0x1F80, s6;
	[dreg:$0x4] =	wrdreg s26  }
0x9: {  	s30 =	sadd.s32 $0x3F00, s6;
	s25 =	sadd.s32 s4, s9;
	s0 =	rddreg [dreg:$0x2]  }
0xa: {  	s10 =	sadd.s32 s4, s30;
	[dreg:$0x3] =	wrdreg s25  }
0xb: {  	s12 =	sadd.s32 $0x5E80, s6;
	s11 =	sadd.s32 s5, s9;
	[dreg:$0x5] =	wrdreg s10  }
0xc: {  	s13 =	sadd.s32 s4, s12;
	[dreg:$0x6] =	wrdreg s11  }
0xd: {  	s15 =	sadd.s32 $0x7E00, s6;
	s14 =	sadd.s32 s5, s30;
	[dreg:$0x7] =	wrdreg s13  }
0xe: {  	s16 =	sadd.s32 s4, s15;
	[dreg:$0x8] =	wrdreg s14  }
0xf: {  	s18 =	sadd.s32 $0x9D80, s6;
	s17 =	sadd.s32 s5, s12;
	[dreg:$0x9] =	wrdreg s16  }
0x10: {  	s19 =	sadd.s32 s4, s18;
	[dreg:$0xa] =	wrdreg s17  }
0x11: {  	s21 =	sadd.s32 $0xBD00, s6;
	s20 =	sadd.s32 s5, s15;
	[dreg:$0xb] =	wrdreg s19  }
0x12: {  	s22 =	sadd.s32 s4, s21;
	[dreg:$0xc] =	wrdreg s20  }
0x13: {  	s23 =	sadd.s32 s5, s18;
	[dreg:$0xd] =	wrdreg s22  }
0x14: {  	s24 =	sadd.s32 $0xDC80, s6;
	s26 =	sadd.s32 s5, s21;
	[dreg:$0xe] =	wrdreg s23  }
0x15: {  	s30 =	sadd.s32 $0xFC00, s6;
	s25 =	sadd.s32 s4, s24;
	[dreg:$0x10] =	wrdreg s26  }
0x16: {  	s10 =	sadd.s32 s4, s30;
	[dreg:$0xf] =	wrdreg s25  }
0x17: {  	s12 =	sadd.s32 $0x11B80, s6;
	s11 =	sadd.s32 s5, s24;
	[dreg:$0x11] =	wrdreg s10  }
0x18: {  	s13 =	sadd.s32 s4, s12;
	[dreg:$0x12] =	wrdreg s11  }
0x19: {  	s15 =	sadd.s32 $0x13B00, s6;
	s14 =	sadd.s32 s5, s30;
	[dreg:$0x13] =	wrdreg s13  }
0x1a: {  	s16 =	sadd.s32 s4, s15;
	[dreg:$0x14] =	wrdreg s14  }
0x1b: {  	s18 =	sadd.s32 $0x15A80, s6;
	s17 =	sadd.s32 s5, s12;
	[dreg:$0x15] =	wrdreg s16  }
0x1c: {  	s19 =	sadd.s32 s4, s18;
	[dreg:$0x16] =	wrdreg s17  }
0x1d: {  	s21 =	sadd.s32 $0x17A00, s6;
	s20 =	sadd.s32 s5, s15;
	[dreg:$0x17] =	wrdreg s19  }
0x1e: {  	s22 =	sadd.s32 s4, s21;
	[dreg:$0x18] =	wrdreg s20  }
0x1f: {  	p1 =	por $0x0, $0x0;
	s23 =	sadd.s32 s5, s18;
	[dreg:$0x19] =	wrdreg s22  }
0x20: {  	s24 =	sadd.s32 $0x19980, s6;
	s26 =	sadd.s32 s5, s21;
	[dreg:$0x1a] =	wrdreg s23  }
0x21: {  	s30 =	sadd.s32 $0x1B900, s6;
	s25 =	sadd.s32 s4, s24;
	[dreg:$0x1c] =	wrdreg s26  }
0x22: {  	s7 =	ssub.s32 $0x2, s7;
	s10 =	sadd.s32 s4, s30;
	[dreg:$0x1b] =	wrdreg s25  }
0x23: {  	s12 =	sadd.s32 $0x1D880, s6;
	s11 =	sadd.s32 s5, s24;
	[dreg:$0x1d] =	wrdreg s10  }
0x24: {  	p0 =	sne.s32 s1, $0x1F;
	s13 =	sadd.s32 s4, s12;
	[dreg:$0x1e] =	wrdreg s11  }
0x25: {  	s15 =	sadd.s32 $0x1F800, s6;
	s14 =	sadd.s32 s5, s30;
	[dreg:$0x1f] =	wrdreg s13  }
0x26: {  	s8 =	simm.s32 $0x3;
	s16 =	sadd.s32 s4, s15;
	[smem:$0x7F0] =	sst s14  }
0x27: {  	s18 =	sadd.s32 $0x21780, s6;
	s17 =	sadd.s32 s5, s12;
	[smem:$0x7F1] =	sst s16  }
0x28: {  	s21 =	sadd.s32 $0x23700, s6;
	s19 =	sadd.s32 s4, s18;
	[smem:$0x7F2] =	sst s17  }
0x29: {  	s20 =	sadd.s32 s5, s15;
	s22 =	sadd.s32 s4, s21;
	[smem:$0x7F3] =	sst s19  }
0x2a: {  	s23 =	sadd.s32 s5, s18;
	s24 =	sadd.s32 $0x25680, s6;
	[smem:$0x7F4] =	sst s20  }
0x2b: {  	s26 =	sadd.s32 s5, s21;
	s30 =	sadd.s32 $0x27600, s6;
	[smem:$0x7F5] =	sst s22  }
0x2c: {  	s12 =	sadd.s32 $0x29580, s6;
	s15 =	sadd.s32 $0x2B500, s6;
	[smem:$0x7F6] =	sst s23  }
0x2d: {  	s18 =	sadd.s32 $0x2F400, s6;
	s25 =	sadd.s32 s4, s24;
	[smem:$0x7F8] =	sst s26  }
0x2e: {  	s10 =	sadd.s32 s4, s30;
	s11 =	sadd.s32 s5, s24;
	[smem:$0x7F7] =	sst s25  }
0x2f: {  	s13 =	sadd.s32 s4, s12;
	s14 =	sadd.s32 s5, s30;
	[smem:$0x7F9] =	sst s10  }
0x30: {  	s16 =	sadd.s32 s4, s15;
	s28 =	sadd.s32 s5, s12;
	[smem:$0x7FA] =	sst s11  }
0x31: {  	s17 =	sadd.s32 $0x2D480, s6;
	s24 =	sadd.s32 s4, s18;
	[smem:$0x7FB] =	sst s13  }
0x32: {  	s19 =	sadd.s32 $0x31380, s6;
	s30 =	sadd.s32 $0x33300, s6;
	[smem:$0x7FC] =	sst s14  }
0x33: {  	s21 =	sadd.s32 s5, s18;
	s10 =	sshrl.u32 s7, $0x1;
	[smem:$0x7FD] =	sst s16  }
0x34: {  	s26 =	sadd.s32 s4, s17;
	s25 =	sadd.s32 s5, s15;
	s23 =	sadd.s32 s5, s17  }
0x35: {  	s22 =	sadd.s32 s4, s19;
	s20 =	sadd.s32 s4, s30;
	s7 =	ssub.s32 s7, s10  }
0x36: {  	s19 =	sadd.s32 s5, s19;
	s17 =	sadd.s32 s5, s30;
	s30 =	smax.u32 s7, $0x1  }
0x37: {  	s11 =	sadd.s32 $0x37200, s6;
	s14 =	sadd.s32 $0x39180, s6;
	s1 =	sadd.s32 $0xFFFFFFFF, s30  }
0x38: {  	s16 =	sadd.s32 $0x3B100, s6;
	s10 =	sadd.s32 $0x35280, s6;
	p2 =	sne.s32 s1, $0x0  }
.Ltmp0:
0x39: {  	s15 =	sadd.s32 s4, s11;
	s12 =	sadd.s32 s4, s14;
	(pc) =	sbr.rel @!p2 .LBB2_1-.Ltmp0, $4  }
0x3a: {  	s9 =	sadd.s32 s4, s16;
	s6 =	sadd.s32 s5, s14;
	s14 =	simm.s32 $0x4  }
0x3b: {  	s18 =	sadd.s32 s4, s10;
	s13 =	sadd.s32 s5, s10;
	s10 =	sadd.s32 s5, s11  }
0x3c: {  	s5 =	sadd.s32 s5, s16;
	s4 =	sadd.s32 $0x7A1400, s3;
	s3 =	sadd.s32 $0xF42600, s3  }
0x3d: {  	s11 =	simm.s32 $0xFC00;
	s7 =	simm.s32 $0x1;
	s16 =	simm.s32 $0x2  }
0x3e: {  	[tilespmem:s2], [sflag:$0x1] =	stream.linear.gather [hbm4b:s0+s2], $0xFC00, $0x38;
	[tilespmem:$0x1F800] =	vst v63  }
0x3f: {  	s29 =	rddreg [dreg:$0x3]  }
0x40: {  	[tilespmem:s11], [sflag:$0x2] =	stream.linear.gather [hbm4b:s29+s2], $0xFC00, $0x38;
	[tilespmem:$0x1F800] =	vst v63  }
0x41: {  	_ =	swait.ge [sflag:s7], $0xFC00  }
0x42: {  	[sflag:s7] =	ssyncset.done $0x0  }
0x43: {  	s29 =	rddreg [dreg:$0x4];
	[sflag:s7] =	ssyncadd.s32 $0xFFFF0400  }
0x44: {  	[hbm4b:s29+s2] =	stream.linear.scatter [tilespmem:s2], [sflag:$0x3], $0xFC00, $0x38;
	[tilespmem:$0x1F800] =	vst v63  }
0x45: {  	_ =	swait.ge [sflag:s8], $0xFC00  }
0x46: {  	[sflag:s8] =	ssyncset.done $0x0  }
0x47: {  	s29 =	rddreg [dreg:$0x5];
	[sflag:s8] =	ssyncadd.s32 $0xFFFF0400  }
0x48: {  	[tilespmem:s2], [sflag:$0x1] =	stream.linear.gather [hbm4b:s29+s2], $0xFC00, $0x38;
	[tilespmem:$0x1F800] =	vst v63  }
0x49: {  	_ =	swait.ge [sflag:s16], $0xFC00  }
0x4a: {  	[sflag:s16] =	ssyncset.done $0x0  }
0x4b: {  	s29 =	rddreg [dreg:$0x6];
	[sflag:s16] =	ssyncadd.s32 $0xFFFF0400  }
0x4c: {  	[hbm4b:s29+s2] =	stream.linear.scatter [tilespmem:s11], [sflag:$0x4], $0xFC00, $0x38;
	[tilespmem:$0x1F800] =	vst v63  }
0x4d: {  	_ =	swait.ge [sflag:s14], $0xFC00  }
0x4e: {  	[sflag:s14] =	ssyncset.done $0x0  }
0x4f: {  	s29 =	rddreg [dreg:$0x7];
	[sflag:s14] =	ssyncadd.s32 $0xFFFF0400  }
0x50: {  	[tilespmem:s11], [sflag:$0x2] =	stream.linear.gather [hbm4b:s29+s2], $0xFC00, $0x38;
	[tilespmem:$0x1F800] =	vst v63  }
0x51: {  	_ =	swait.ge [sflag:s7], $0xFC00  }
0x52: {  	[sflag:s7] =	ssyncset.done $0x0  }
0x53: {  	s29 =	rddreg [dreg:$0x8];
	[sflag:s7] =	ssyncadd.s32 $0xFFFF0400  }
0x54: {  	[hbm4b:s29+s2] =	stream.linear.scatter [tilespmem:s2], [sflag:$0x3], $0xFC00, $0x38;
	[tilespmem:$0x1F800] =	vst v63  }
0x55: {  	_ =	swait.ge [sflag:s8], $0xFC00  }
0x56: {  	[sflag:s8] =	ssyncset.done $0x0  }
0x57: {  	s29 =	rddreg [dreg:$0x9];
	[sflag:s8] =	ssyncadd.s32 $0xFFFF0400  }
0x58: {  	[tilespmem:s2], [sflag:$0x1] =	stream.linear.gather [hbm4b:s29+s2], $0xFC00, $0x38;
	[tilespmem:$0x1F800] =	vst v63  }
0x59: {  	_ =	swait.ge [sflag:s16], $0xFC00  }
0x5a: {  	[sflag:s16] =	ssyncset.done $0x0  }
0x5b: {  	s29 =	rddreg [dreg:$0xa];
	[sflag:s16] =	ssyncadd.s32 $0xFFFF0400  }
0x5c: {  	[hbm4b:s29+s2] =	stream.linear.scatter [tilespmem:s11], [sflag:$0x4], $0xFC00, $0x38;
	[tilespmem:$0x1F800] =	vst v63  }
0x5d: {  	_ =	swait.ge [sflag:s14], $0xFC00  }
0x5e: {  	[sflag:s14] =	ssyncset.done $0x0  }
0x5f: {  	s29 =	rddreg [dreg:$0xb];
	[sflag:s14] =	ssyncadd.s32 $0xFFFF0400  }
0x60: {  	[tilespmem:s11], [sflag:$0x2] =	stream.linear.gather [hbm4b:s29+s2], $0xFC00, $0x38;
	[tilespmem:$0x1F800] =	vst v63  }
0x61: {  	_ =	swait.ge [sflag:s7], $0xFC00  }
0x62: {  	[sflag:s7] =	ssyncset.done $0x0  }
0x63: {  	s29 =	rddreg [dreg:$0xc];
	[sflag:s7] =	ssyncadd.s32 $0xFFFF0400  }
0x64: {  	[hbm4b:s29+s2] =	stream.linear.scatter [tilespmem:s2], [sflag:$0x3], $0xFC00, $0x38;
	[tilespmem:$0x1F800] =	vst v63  }
0x65: {  	_ =	swait.ge [sflag:s8], $0xFC00  }
0x66: {  	[sflag:s8] =	ssyncset.done $0x0  }
0x67: {  	s29 =	rddreg [dreg:$0xd];
	[sflag:s8] =	ssyncadd.s32 $0xFFFF0400  }
0x68: {  	[tilespmem:s2], [sflag:$0x1] =	stream.linear.gather [hbm4b:s29+s2], $0xFC00, $0x38;
	[tilespmem:$0x1F800] =	vst v63  }
0x69: {  	_ =	swait.ge [sflag:s16], $0xFC00  }
0x6a: {  	[sflag:s16] =	ssyncset.done $0x0  }
0x6b: {  	s29 =	rddreg [dreg:$0xe];
	[sflag:s16] =	ssyncadd.s32 $0xFFFF0400  }
0x6c: {  	[hbm4b:s29+s2] =	stream.linear.scatter [tilespmem:s11], [sflag:$0x4], $0xFC00, $0x38;
	[tilespmem:$0x1F800] =	vst v63  }
0x6d: {  	_ =	swait.ge [sflag:s14], $0xFC00  }
0x6e: {  	[sflag:s14] =	ssyncset.done $0x0  }
0x6f: {  	s29 =	rddreg [dreg:$0xf];
	[sflag:s14] =	ssyncadd.s32 $0xFFFF0400  }
0x70: {  	[tilespmem:s11], [sflag:$0x2] =	stream.linear.gather [hbm4b:s29+s2], $0xFC00, $0x38;
	[tilespmem:$0x1F800] =	vst v63  }
0x71: {  	_ =	swait.ge [sflag:s7], $0xFC00  }
0x72: {  	[sflag:s7] =	ssyncset.done $0x0  }
0x73: {  	s29 =	rddreg [dreg:$0x10];
	[sflag:s7] =	ssyncadd.s32 $0xFFFF0400  }
0x74: {  	[hbm4b:s29+s2] =	stream.linear.scatter [tilespmem:s2], [sflag:$0x3], $0xFC00, $0x38;
	[tilespmem:$0x1F800] =	vst v63  }
0x75: {  	_ =	swait.ge [sflag:s8], $0xFC00  }
0x76: {  	[sflag:s8] =	ssyncset.done $0x0  }
0x77: {  	s29 =	rddreg [dreg:$0x11];
	[sflag:s8] =	ssyncadd.s32 $0xFFFF0400  }
0x78: {  	[tilespmem:s2], [sflag:$0x1] =	stream.linear.gather [hbm4b:s29+s2], $0xFC00, $0x38;
	[tilespmem:$0x1F800] =	vst v63  }
0x79: {  	_ =	swait.ge [sflag:s16], $0xFC00  }
0x7a: {  	[sflag:s16] =	ssyncset.done $0x0  }
0x7b: {  	s29 =	rddreg [dreg:$0x12];
	[sflag:s16] =	ssyncadd.s32 $0xFFFF0400  }
0x7c: {  	[hbm4b:s29+s2] =	stream.linear.scatter [tilespmem:s11], [sflag:$0x4], $0xFC00, $0x38;
	[tilespmem:$0x1F800] =	vst v63  }
0x7d: {  	_ =	swait.ge [sflag:s14], $0xFC00  }
0x7e: {  	[sflag:s14] =	ssyncset.done $0x0  }
0x7f: {  	s29 =	rddreg [dreg:$0x13];
	[sflag:s14] =	ssyncadd.s32 $0xFFFF0400  }
0x80: {  	[tilespmem:s11], [sflag:$0x2] =	stream.linear.gather [hbm4b:s29+s2], $0xFC00, $0x38;
	[tilespmem:$0x1F800] =	vst v63  }
0x81: {  	_ =	swait.ge [sflag:s7], $0xFC00  }
0x82: {  	[sflag:s7] =	ssyncset.done $0x0  }
0x83: {  	s29 =	rddreg [dreg:$0x14];
	[sflag:s7] =	ssyncadd.s32 $0xFFFF0400  }
0x84: {  	[hbm4b:s29+s2] =	stream.linear.scatter [tilespmem:s2], [sflag:$0x3], $0xFC00, $0x38;
	[tilespmem:$0x1F800] =	vst v63  }
0x85: {  	_ =	swait.ge [sflag:s8], $0xFC00  }
0x86: {  	[sflag:s8] =	ssyncset.done $0x0  }
0x87: {  	s29 =	rddreg [dreg:$0x15];
	[sflag:s8] =	ssyncadd.s32 $0xFFFF0400  }
0x88: {  	[tilespmem:s2], [sflag:$0x1] =	stream.linear.gather [hbm4b:s29+s2], $0xFC00, $0x38;
	[tilespmem:$0x1F800] =	vst v63  }
0x89: {  	_ =	swait.ge [sflag:s16], $0xFC00  }
0x8a: {  	[sflag:s16] =	ssyncset.done $0x0  }
0x8b: {  	s29 =	rddreg [dreg:$0x16];
	[sflag:s16] =	ssyncadd.s32 $0xFFFF0400  }
0x8c: {  	[hbm4b:s29+s2] =	stream.linear.scatter [tilespmem:s11], [sflag:$0x4], $0xFC00, $0x38;
	[tilespmem:$0x1F800] =	vst v63  }
0x8d: {  	_ =	swait.ge [sflag:s14], $0xFC00  }
0x8e: {  	[sflag:s14] =	ssyncset.done $0x0  }
0x8f: {  	s29 =	rddreg [dreg:$0x17];
	[sflag:s14] =	ssyncadd.s32 $0xFFFF0400  }
0x90: {  	[tilespmem:s11], [sflag:$0x2] =	stream.linear.gather [hbm4b:s29+s2], $0xFC00, $0x38;
	[tilespmem:$0x1F800] =	vst v63  }
0x91: {  	_ =	swait.ge [sflag:s7], $0xFC00  }
0x92: {  	[sflag:s7] =	ssyncset.done $0x0  }
0x93: {  	s29 =	rddreg [dreg:$0x18];
	[sflag:s7] =	ssyncadd.s32 $0xFFFF0400  }
0x94: {  	[hbm4b:s29+s2] =	stream.linear.scatter [tilespmem:s2], [sflag:$0x3], $0xFC00, $0x38;
	[tilespmem:$0x1F800] =	vst v63  }
0x95: {  	_ =	swait.ge [sflag:s8], $0xFC00  }
0x96: {  	[sflag:s8] =	ssyncset.done $0x0  }
0x97: {  	s29 =	rddreg [dreg:$0x19];
	[sflag:s8] =	ssyncadd.s32 $0xFFFF0400  }
0x98: {  	[tilespmem:s2], [sflag:$0x1] =	stream.linear.gather [hbm4b:s29+s2], $0xFC00, $0x38;
	[tilespmem:$0x1F800] =	vst v63  }
0x99: {  	_ =	swait.ge [sflag:s16], $0xFC00  }
0x9a: {  	[sflag:s16] =	ssyncset.done $0x0  }
0x9b: {  	s29 =	rddreg [dreg:$0x1a];
	[sflag:s16] =	ssyncadd.s32 $0xFFFF0400  }
0x9c: {  	[hbm4b:s29+s2] =	stream.linear.scatter [tilespmem:s11], [sflag:$0x4], $0xFC00, $0x38;
	[tilespmem:$0x1F800] =	vst v63  }
0x9d: {  	_ =	swait.ge [sflag:s14], $0xFC00  }
0x9e: {  	[sflag:s14] =	ssyncset.done $0x0  }
0x9f: {  	s29 =	rddreg [dreg:$0x1b];
	[sflag:s14] =	ssyncadd.s32 $0xFFFF0400  }
0xa0: {  	[tilespmem:s11], [sflag:$0x2] =	stream.linear.gather [hbm4b:s29+s2], $0xFC00, $0x38;
	[tilespmem:$0x1F800] =	vst v63  }
0xa1: {  	_ =	swait.ge [sflag:s7], $0xFC00  }
0xa2: {  	[sflag:s7] =	ssyncset.done $0x0  }
0xa3: {  	s29 =	rddreg [dreg:$0x1c];
	[sflag:s7] =	ssyncadd.s32 $0xFFFF0400  }
0xa4: {  	[hbm4b:s29+s2] =	stream.linear.scatter [tilespmem:s2], [sflag:$0x3], $0xFC00, $0x38;
	[tilespmem:$0x1F800] =	vst v63  }
0xa5: {  	_ =	swait.ge [sflag:s8], $0xFC00  }
0xa6: {  	[sflag:s8] =	ssyncset.done $0x0  }
0xa7: {  	s29 =	rddreg [dreg:$0x1d];
	[sflag:s8] =	ssyncadd.s32 $0xFFFF0400  }
0xa8: {  	[tilespmem:s2], [sflag:$0x1] =	stream.linear.gather [hbm4b:s29+s2], $0xFC00, $0x38;
	[tilespmem:$0x1F800] =	vst v63  }
0xa9: {  	_ =	swait.ge [sflag:s16], $0xFC00  }
0xaa: {  	[sflag:s16] =	ssyncset.done $0x0  }
0xab: {  	s29 =	rddreg [dreg:$0x1e];
	[sflag:s16] =	ssyncadd.s32 $0xFFFF0400  }
0xac: {  	[hbm4b:s29+s2] =	stream.linear.scatter [tilespmem:s11], [sflag:$0x4], $0xFC00, $0x38;
	[tilespmem:$0x1F800] =	vst v63  }
0xad: {  	_ =	swait.ge [sflag:s14], $0xFC00  }
0xae: {  	[sflag:s14] =	ssyncset.done $0x0  }
0xaf: {  	s29 =	rddreg [dreg:$0x1f];
	[sflag:s14] =	ssyncadd.s32 $0xFFFF0400  }
0xb0: {  	[tilespmem:s11], [sflag:$0x2] =	stream.linear.gather [hbm4b:s29+s2], $0xFC00, $0x38;
	[tilespmem:$0x1F800] =	vst v63  }
0xb1: {  	_ =	swait.ge [sflag:s7], $0xFC00  }
0xb2: {  	s29 =	sld [smem:$0x7F0]  }
0xb3: {  	[sflag:s7] =	ssyncset.done $0x0  }
0xb4: {  	[sflag:s7] =	ssyncadd.s32 $0xFFFF0400  }
0xb5: {  	[hbm4b:s29+s2] =	stream.linear.scatter [tilespmem:s2], [sflag:$0x3], $0xFC00, $0x38;
	[tilespmem:$0x1F800] =	vst v63  }
0xb6: {  	_ =	swait.ge [sflag:s8], $0xFC00  }
0xb7: {  	s29 =	sld [smem:$0x7F1]  }
0xb8: {  	[sflag:s8] =	ssyncset.done $0x0  }
0xb9: {  	[sflag:s8] =	ssyncadd.s32 $0xFFFF0400  }
0xba: {  	[tilespmem:s2], [sflag:$0x1] =	stream.linear.gather [hbm4b:s29+s2], $0xFC00, $0x38;
	[tilespmem:$0x1F800] =	vst v63  }
0xbb: {  	_ =	swait.ge [sflag:s16], $0xFC00  }
0xbc: {  	s29 =	sld [smem:$0x7F2]  }
0xbd: {  	[sflag:s16] =	ssyncset.done $0x0  }
0xbe: {  	[sflag:s16] =	ssyncadd.s32 $0xFFFF0400  }
0xbf: {  	[hbm4b:s29+s2] =	stream.linear.scatter [tilespmem:s11], [sflag:$0x4], $0xFC00, $0x38;
	[tilespmem:$0x1F800] =	vst v63  }
0xc0: {  	_ =	swait.ge [sflag:s14], $0xFC00  }
0xc1: {  	s29 =	sld [smem:$0x7F3]  }
0xc2: {  	[sflag:s14] =	ssyncset.done $0x0  }
0xc3: {  	[sflag:s14] =	ssyncadd.s32 $0xFFFF0400  }
0xc4: {  	[tilespmem:s11], [sflag:$0x2] =	stream.linear.gather [hbm4b:s29+s2], $0xFC00, $0x38;
	[tilespmem:$0x1F800] =	vst v63  }
0xc5: {  	_ =	swait.ge [sflag:s7], $0xFC00  }
0xc6: {  	s29 =	sld [smem:$0x7F4]  }
0xc7: {  	[sflag:s7] =	ssyncset.done $0x0  }
0xc8: {  	[sflag:s7] =	ssyncadd.s32 $0xFFFF0400  }
0xc9: {  	[hbm4b:s29+s2] =	stream.linear.scatter [tilespmem:s2], [sflag:$0x3], $0xFC00, $0x38;
	[tilespmem:$0x1F800] =	vst v63  }
0xca: {  	_ =	swait.ge [sflag:s8], $0xFC00  }
0xcb: {  	s29 =	sld [smem:$0x7F5]  }
0xcc: {  	[sflag:s8] =	ssyncset.done $0x0  }
0xcd: {  	[sflag:s8] =	ssyncadd.s32 $0xFFFF0400  }
0xce: {  	[tilespmem:s2], [sflag:$0x1] =	stream.linear.gather [hbm4b:s29+s2], $0xFC00, $0x38;
	[tilespmem:$0x1F800] =	vst v63  }
0xcf: {  	_ =	swait.ge [sflag:s16], $0xFC00  }
0xd0: {  	s29 =	sld [smem:$0x7F6]  }
0xd1: {  	[sflag:s16] =	ssyncset.done $0x0  }
0xd2: {  	[sflag:s16] =	ssyncadd.s32 $0xFFFF0400  }
0xd3: {  	[hbm4b:s29+s2] =	stream.linear.scatter [tilespmem:s11], [sflag:$0x4], $0xFC00, $0x38;
	[tilespmem:$0x1F800] =	vst v63  }
0xd4: {  	_ =	swait.ge [sflag:s14], $0xFC00  }
0xd5: {  	s29 =	sld [smem:$0x7F7]  }
0xd6: {  	[sflag:s14] =	ssyncset.done $0x0  }
0xd7: {  	[sflag:s14] =	ssyncadd.s32 $0xFFFF0400  }
0xd8: {  	[tilespmem:s11], [sflag:$0x2] =	stream.linear.gather [hbm4b:s29+s2], $0xFC00, $0x38;
	[tilespmem:$0x1F800] =	vst v63  }
0xd9: {  	_ =	swait.ge [sflag:s7], $0xFC00  }
0xda: {  	s29 =	sld [smem:$0x7F8]  }
0xdb: {  	[sflag:s7] =	ssyncset.done $0x0  }
0xdc: {  	[sflag:s7] =	ssyncadd.s32 $0xFFFF0400  }
0xdd: {  	[hbm4b:s29+s2] =	stream.linear.scatter [tilespmem:s2], [sflag:$0x3], $0xFC00, $0x38;
	[tilespmem:$0x1F800] =	vst v63  }
0xde: {  	_ =	swait.ge [sflag:s8], $0xFC00  }
0xdf: {  	s29 =	sld [smem:$0x7F9]  }
0xe0: {  	[sflag:s8] =	ssyncset.done $0x0  }
0xe1: {  	[sflag:s8] =	ssyncadd.s32 $0xFFFF0400  }
0xe2: {  	[tilespmem:s2], [sflag:$0x1] =	stream.linear.gather [hbm4b:s29+s2], $0xFC00, $0x38;
	[tilespmem:$0x1F800] =	vst v63  }
0xe3: {  	_ =	swait.ge [sflag:s16], $0xFC00  }
0xe4: {  	s29 =	sld [smem:$0x7FA]  }
0xe5: {  	[sflag:s16] =	ssyncset.done $0x0  }
0xe6: {  	[sflag:s16] =	ssyncadd.s32 $0xFFFF0400  }
0xe7: {  	[hbm4b:s29+s2] =	stream.linear.scatter [tilespmem:s11], [sflag:$0x4], $0xFC00, $0x38;
	[tilespmem:$0x1F800] =	vst v63  }
0xe8: {  	_ =	swait.ge [sflag:s14], $0xFC00  }
0xe9: {  	s29 =	sld [smem:$0x7FB]  }
0xea: {  	[sflag:s14] =	ssyncset.done $0x0  }
0xeb: {  	[sflag:s14] =	ssyncadd.s32 $0xFFFF0400  }
0xec: {  	[tilespmem:s11], [sflag:$0x2] =	stream.linear.gather [hbm4b:s29+s2], $0xFC00, $0x38;
	[tilespmem:$0x1F800] =	vst v63  }
0xed: {  	_ =	swait.ge [sflag:s7], $0xFC00  }
0xee: {  	s29 =	sld [smem:$0x7FC]  }
0xef: {  	[sflag:s7] =	ssyncset.done $0x0  }
0xf0: {  	[sflag:s7] =	ssyncadd.s32 $0xFFFF0400  }
0xf1: {  	[hbm4b:s29+s2] =	stream.linear.scatter [tilespmem:s2], [sflag:$0x3], $0xFC00, $0x38;
	[tilespmem:$0x1F800] =	vst v63  }
0xf2: {  	_ =	swait.ge [sflag:s8], $0xFC00  }
0xf3: {  	s29 =	sld [smem:$0x7FD]  }
0xf4: {  	[sflag:s8] =	ssyncset.done $0x0  }
0xf5: {  	[sflag:s8] =	ssyncadd.s32 $0xFFFF0400  }
0xf6: {  	[tilespmem:s2], [sflag:$0x1] =	stream.linear.gather [hbm4b:s29+s2], $0xFC00, $0x38;
	[tilespmem:$0x1F800] =	vst v63  }
0xf7: {  	_ =	swait.ge [sflag:s16], $0xFC00  }
0xf8: {  	[sflag:s16] =	ssyncset.done $0x0  }
0xf9: {  	[sflag:s16] =	ssyncadd.s32 $0xFFFF0400  }
0xfa: {  	[hbm4b:s28+s2] =	stream.linear.scatter [tilespmem:s11], [sflag:$0x4], $0xFC00, $0x38;
	[tilespmem:$0x1F800] =	vst v63  }
0xfb: {  	_ =	swait.ge [sflag:s14], $0xFC00  }
0xfc: {  	[sflag:s14] =	ssyncset.done $0x0  }
0xfd: {  	[sflag:s14] =	ssyncadd.s32 $0xFFFF0400  }
0xfe: {  	[tilespmem:s11], [sflag:$0x2] =	stream.linear.gather [hbm4b:s26+s2], $0xFC00, $0x38;
	[tilespmem:$0x1F800] =	vst v63  }
0xff: {  	_ =	swait.ge [sflag:s7], $0xFC00  }
0x100: {  	[sflag:s7] =	ssyncset.done $0x0  }
0x101: {  	[sflag:s7] =	ssyncadd.s32 $0xFFFF0400  }
0x102: {  	[hbm4b:s25+s2] =	stream.linear.scatter [tilespmem:s2], [sflag:$0x3], $0xFC00, $0x38;
	[tilespmem:$0x1F800] =	vst v63  }
0x103: {  	_ =	swait.ge [sflag:s8], $0xFC00  }
0x104: {  	[sflag:s8] =	ssyncset.done $0x0  }
0x105: {  	[sflag:s8] =	ssyncadd.s32 $0xFFFF0400  }
0x106: {  	[tilespmem:s2], [sflag:$0x1] =	stream.linear.gather [hbm4b:s24+s2], $0xFC00, $0x38;
	[tilespmem:$0x1F800] =	vst v63  }
0x107: {  	_ =	swait.ge [sflag:s16], $0xFC00  }
0x108: {  	[sflag:s16] =	ssyncset.done $0x0  }
0x109: {  	[sflag:s16] =	ssyncadd.s32 $0xFFFF0400  }
0x10a: {  	[hbm4b:s23+s2] =	stream.linear.scatter [tilespmem:s11], [sflag:$0x4], $0xFC00, $0x38;
	[tilespmem:$0x1F800] =	vst v63  }
0x10b: {  	_ =	swait.ge [sflag:s14], $0xFC00  }
0x10c: {  	[sflag:s14] =	ssyncset.done $0x0  }
0x10d: {  	[sflag:s14] =	ssyncadd.s32 $0xFFFF0400  }
0x10e: {  	[tilespmem:s11], [sflag:$0x2] =	stream.linear.gather [hbm4b:s22+s2], $0xFC00, $0x38;
	[tilespmem:$0x1F800] =	vst v63  }
0x10f: {  	_ =	swait.ge [sflag:s7], $0xFC00  }
0x110: {  	[sflag:s7] =	ssyncset.done $0x0  }
0x111: {  	[sflag:s7] =	ssyncadd.s32 $0xFFFF0400  }
0x112: {  	[hbm4b:s21+s2] =	stream.linear.scatter [tilespmem:s2], [sflag:$0x3], $0xFC00, $0x38;
	[tilespmem:$0x1F800] =	vst v63  }
0x113: {  	_ =	swait.ge [sflag:s8], $0xFC00  }
0x114: {  	[sflag:s8] =	ssyncset.done $0x0  }
0x115: {  	[sflag:s8] =	ssyncadd.s32 $0xFFFF0400  }
0x116: {  	[tilespmem:s2], [sflag:$0x1] =	stream.linear.gather [hbm4b:s20+s2], $0xFC00, $0x38;
	[tilespmem:$0x1F800] =	vst v63  }
0x117: {  	_ =	swait.ge [sflag:s16], $0xFC00  }
0x118: {  	[sflag:s16] =	ssyncset.done $0x0  }
0x119: {  	[sflag:s16] =	ssyncadd.s32 $0xFFFF0400  }
0x11a: {  	[hbm4b:s19+s2] =	stream.linear.scatter [tilespmem:s11], [sflag:$0x4], $0xFC00, $0x38;
	[tilespmem:$0x1F800] =	vst v63  }
0x11b: {  	_ =	swait.ge [sflag:s14], $0xFC00  }
0x11c: {  	[sflag:s14] =	ssyncset.done $0x0  }
0x11d: {  	[sflag:s14] =	ssyncadd.s32 $0xFFFF0400  }
0x11e: {  	[tilespmem:s11], [sflag:$0x2] =	stream.linear.gather [hbm4b:s18+s2], $0xFC00, $0x38;
	[tilespmem:$0x1F800] =	vst v63  }
0x11f: {  	_ =	swait.ge [sflag:s7], $0xFC00  }
0x120: {  	[sflag:s7] =	ssyncset.done $0x0  }
0x121: {  	[sflag:s7] =	ssyncadd.s32 $0xFFFF0400  }
0x122: {  	[hbm4b:s17+s2] =	stream.linear.scatter [tilespmem:s2], [sflag:$0x3], $0xFC00, $0x38;
	[tilespmem:$0x1F800] =	vst v63  }
0x123: {  	_ =	swait.ge [sflag:s8], $0xFC00  }
0x124: {  	[sflag:s8] =	ssyncset.done $0x0  }
0x125: {  	[sflag:s8] =	ssyncadd.s32 $0xFFFF0400  }
0x126: {  	[tilespmem:s2], [sflag:$0x1] =	stream.linear.gather [hbm4b:s15+s2], $0xFC00, $0x38;
	[tilespmem:$0x1F800] =	vst v63  }
0x127: {  	_ =	swait.ge [sflag:s16], $0xFC00  }
0x128: {  	[sflag:s16] =	ssyncset.done $0x0  }
0x129: {  	[sflag:s16] =	ssyncadd.s32 $0xFFFF0400  }
0x12a: {  	[hbm4b:s13+s2] =	stream.linear.scatter [tilespmem:s11], [sflag:$0x4], $0xFC00, $0x38;
	[tilespmem:$0x1F800] =	vst v63  }
0x12b: {  	_ =	swait.ge [sflag:s14], $0xFC00  }
0x12c: {  	[sflag:s14] =	ssyncset.done $0x0  }
0x12d: {  	[sflag:s14] =	ssyncadd.s32 $0xFFFF0400  }
0x12e: {  	[tilespmem:s11], [sflag:$0x2] =	stream.linear.gather [hbm4b:s12+s2], $0xFC00, $0x38;
	[tilespmem:$0x1F800] =	vst v63  }
0x12f: {  	_ =	swait.ge [sflag:s7], $0xFC00  }
0x130: {  	[sflag:s7] =	ssyncset.done $0x0  }
0x131: {  	[sflag:s7] =	ssyncadd.s32 $0xFFFF0400  }
0x132: {  	[hbm4b:s10+s2] =	stream.linear.scatter [tilespmem:s2], [sflag:$0x3], $0xFC00, $0x38;
	[tilespmem:$0x1F800] =	vst v63  }
0x133: {  	_ =	swait.ge [sflag:s8], $0xFC00  }
0x134: {  	[sflag:s8] =	ssyncset.done $0x0  }
0x135: {  	[sflag:s8] =	ssyncadd.s32 $0xFFFF0400  }
0x136: {  	[tilespmem:s2], [sflag:$0x1] =	stream.linear.gather [hbm4b:s9+s2], $0xFC00, $0x38;
	[tilespmem:$0x1F800] =	vst v63  }
0x137: {  	_ =	swait.ge [sflag:s16], $0xFC00  }
0x138: {  	[sflag:s16] =	ssyncset.done $0x0  }
0x139: {  	[sflag:s16] =	ssyncadd.s32 $0xFFFF0400  }
0x13a: {  	[hbm4b:s6+s2] =	stream.linear.scatter [tilespmem:s11], [sflag:$0x4], $0xFC00, $0x38;
	[tilespmem:$0x1F800] =	vst v63  }
0x13b: {  	_ =	swait.ge [sflag:s14], $0xFC00  }
0x13c: {  	[sflag:s14] =	ssyncset.done $0x0  }
0x13d: {  	[sflag:s14] =	ssyncadd.s32 $0xFFFF0400  }
0x13e: {  	_ =	swait.ge [sflag:s7], $0xFC00  }
0x13f: {  	[sflag:s7] =	ssyncset.done $0x0  }
0x140: {  	[sflag:s7] =	ssyncadd.s32 $0xFFFF0400  }
0x141: {  	[hbm4b:s5+s2] =	stream.linear.scatter [tilespmem:s2], [sflag:$0x3], $0xFC00, $0x38;
	[tilespmem:$0x1F800] =	vst v63  }
0x142: {  	_ =	swait.ge [sflag:s8], $0xFC00  }
0x143: {  	s0 =	simm.s32 @!p0 $0x0;
	[sflag:s8] =	ssyncset.done $0x0  }
0x144: {  	s31 =	simm.s32 @!p0 $0x1;
	s1 =	sadd.s32 $0xFFFFFFFF, s1;
	[sflag:s8] =	ssyncadd.s32 $0xFFFF0400  }
0x145: {  	[tilespmem:s0], [sflag:$0x1] =	stream.linear.gather @!p0 [hbm4b:s4+s0], $0x1000, $0x38;
	[tilespmem:$0x1F800] =	vst v63  }
0x146: {  	p2 =	sne.s32 s1, $0x0;
	_ =	swait.ge @!p0 [sflag:s31], $0x1000  }
.Ltmp1:
0x147: {  	[sflag:s31] =	ssyncset.done @!p0 $0x0;
	(pc) =	sbr.rel @!p2 .LBB2_3-.Ltmp1, $4  }
0x148: {  	s30 =	simm.s32 @!p0 $0x3;
	[sflag:s31] =	ssyncadd.s32 @!p0 $0xFFFFF000  }
0x149: {  	[hbm4b:s3+s0] =	stream.linear.scatter @!p0 [tilespmem:s0], [sflag:$0x3], $0x1000, $0x38;
	[tilespmem:$0x1F800] =	vst v63  }
0x14a: {  	_ =	swait.ge @!p0 [sflag:s30], $0x1000  }
0x14b: {  	p1 =	por $0x1, $0x1;
	s0 =	rddreg [dreg:$0x2];
	[sflag:s30] =	ssyncset.done @!p0 $0x0  }
.LBB2_4:
0x14c: {  	[sflag:s30] =	ssyncadd.s32 @!p0 $0xFFFFF000  }
0x14d: {  	s29 =	smov.u32 s28;
	s28 =	smov.u32 s26;
	s26 =	smov.u32 s25  }
0x14e: {  	s25 =	smov.u32 s24;
	s24 =	smov.u32 s23;
	s23 =	smov.u32 s22  }
0x14f: {  	s22 =	smov.u32 s21;
	s21 =	smov.u32 s20;
	s20 =	smov.u32 s19  }
0x150: {  	s19 =	smov.u32 s18;
	s18 =	smov.u32 s17;
	s17 =	smov.u32 s15  }
0x151: {  	s15 =	smov.u32 s13;
	s13 =	smov.u32 s12;
	s12 =	smov.u32 s10  }
0x152: {  	s10 =	smov.u32 s9;
	s9 =	smov.u32 s6;
	s6 =	smov.u32 s5  }
0x153: {  	[tilespmem:s2], [sflag:$0x1] =	stream.linear.gather [hbm4b:s0+s2], $0xFC00, $0x38;
	[tilespmem:$0x1F800] =	vst v63  }
0x154: {  	s5 =	smov.u32 s4;
	s4 =	smov.u32 s3;
	s3 =	rddreg [dreg:$0x3]  }
0x155: {  	[tilespmem:s11], [sflag:$0x2] =	stream.linear.gather [hbm4b:s3+s2], $0xFC00, $0x38;
	[tilespmem:$0x1F800] =	vst v63  }
0x156: {  	_ =	swait.ge [sflag:s7], $0xFC00  }
0x157: {  	[sflag:s7] =	ssyncset.done $0x0  }
0x158: {  	s0 =	rddreg [dreg:$0x4];
	[sflag:s7] =	ssyncadd.s32 $0xFFFF0400  }
0x159: {  	[hbm4b:s0+s2] =	stream.linear.scatter [tilespmem:s2], [sflag:$0x3], $0xFC00, $0x38;
	[tilespmem:$0x1F800] =	vst v63  }
0x15a: {  	_ =	swait.ge [sflag:s8], $0xFC00  }
0x15b: {  	[sflag:s8] =	ssyncset.done $0x0  }
0x15c: {  	s0 =	rddreg [dreg:$0x5];
	[sflag:s8] =	ssyncadd.s32 $0xFFFF0400  }
0x15d: {  	[tilespmem:s2], [sflag:$0x1] =	stream.linear.gather [hbm4b:s0+s2], $0xFC00, $0x38;
	[tilespmem:$0x1F800] =	vst v63  }
0x15e: {  	_ =	swait.ge [sflag:s16], $0xFC00  }
0x15f: {  	[sflag:s16] =	ssyncset.done $0x0  }
0x160: {  	s0 =	rddreg [dreg:$0x6];
	[sflag:s16] =	ssyncadd.s32 $0xFFFF0400  }
0x161: {  	[hbm4b:s0+s2] =	stream.linear.scatter [tilespmem:s11], [sflag:$0x4], $0xFC00, $0x38;
	[tilespmem:$0x1F800] =	vst v63  }
0x162: {  	_ =	swait.ge [sflag:s14], $0xFC00  }
0x163: {  	[sflag:s14] =	ssyncset.done $0x0  }
0x164: {  	s0 =	rddreg [dreg:$0x7];
	[sflag:s14] =	ssyncadd.s32 $0xFFFF0400  }
0x165: {  	[tilespmem:s11], [sflag:$0x2] =	stream.linear.gather [hbm4b:s0+s2], $0xFC00, $0x38;
	[tilespmem:$0x1F800] =	vst v63  }
0x166: {  	_ =	swait.ge [sflag:s7], $0xFC00  }
0x167: {  	[sflag:s7] =	ssyncset.done $0x0  }
0x168: {  	s0 =	rddreg [dreg:$0x8];
	[sflag:s7] =	ssyncadd.s32 $0xFFFF0400  }
0x169: {  	[hbm4b:s0+s2] =	stream.linear.scatter [tilespmem:s2], [sflag:$0x3], $0xFC00, $0x38;
	[tilespmem:$0x1F800] =	vst v63  }
0x16a: {  	_ =	swait.ge [sflag:s8], $0xFC00  }
0x16b: {  	[sflag:s8] =	ssyncset.done $0x0  }
0x16c: {  	s0 =	rddreg [dreg:$0x9];
	[sflag:s8] =	ssyncadd.s32 $0xFFFF0400  }
0x16d: {  	[tilespmem:s2], [sflag:$0x1] =	stream.linear.gather [hbm4b:s0+s2], $0xFC00, $0x38;
	[tilespmem:$0x1F800] =	vst v63  }
0x16e: {  	_ =	swait.ge [sflag:s16], $0xFC00  }
0x16f: {  	[sflag:s16] =	ssyncset.done $0x0  }
0x170: {  	s0 =	rddreg [dreg:$0xa];
	[sflag:s16] =	ssyncadd.s32 $0xFFFF0400  }
0x171: {  	[hbm4b:s0+s2] =	stream.linear.scatter [tilespmem:s11], [sflag:$0x4], $0xFC00, $0x38;
	[tilespmem:$0x1F800] =	vst v63  }
0x172: {  	_ =	swait.ge [sflag:s14], $0xFC00  }
0x173: {  	[sflag:s14] =	ssyncset.done $0x0  }
0x174: {  	s0 =	rddreg [dreg:$0xb];
	[sflag:s14] =	ssyncadd.s32 $0xFFFF0400  }
0x175: {  	[tilespmem:s11], [sflag:$0x2] =	stream.linear.gather [hbm4b:s0+s2], $0xFC00, $0x38;
	[tilespmem:$0x1F800] =	vst v63  }
0x176: {  	_ =	swait.ge [sflag:s7], $0xFC00  }
0x177: {  	[sflag:s7] =	ssyncset.done $0x0  }
0x178: {  	s0 =	rddreg [dreg:$0xc];
	[sflag:s7] =	ssyncadd.s32 $0xFFFF0400  }
0x179: {  	[hbm4b:s0+s2] =	stream.linear.scatter [tilespmem:s2], [sflag:$0x3], $0xFC00, $0x38;
	[tilespmem:$0x1F800] =	vst v63  }
0x17a: {  	_ =	swait.ge [sflag:s8], $0xFC00  }
0x17b: {  	[sflag:s8] =	ssyncset.done $0x0  }
0x17c: {  	s0 =	rddreg [dreg:$0xd];
	[sflag:s8] =	ssyncadd.s32 $0xFFFF0400  }
0x17d: {  	[tilespmem:s2], [sflag:$0x1] =	stream.linear.gather [hbm4b:s0+s2], $0xFC00, $0x38;
	[tilespmem:$0x1F800] =	vst v63  }
0x17e: {  	_ =	swait.ge [sflag:s16], $0xFC00  }
0x17f: {  	[sflag:s16] =	ssyncset.done $0x0  }
0x180: {  	s0 =	rddreg [dreg:$0xe];
	[sflag:s16] =	ssyncadd.s32 $0xFFFF0400  }
0x181: {  	[hbm4b:s0+s2] =	stream.linear.scatter [tilespmem:s11], [sflag:$0x4], $0xFC00, $0x38;
	[tilespmem:$0x1F800] =	vst v63  }
0x182: {  	_ =	swait.ge [sflag:s14], $0xFC00  }
0x183: {  	[sflag:s14] =	ssyncset.done $0x0  }
0x184: {  	s0 =	rddreg [dreg:$0xf];
	[sflag:s14] =	ssyncadd.s32 $0xFFFF0400  }
0x185: {  	[tilespmem:s11], [sflag:$0x2] =	stream.linear.gather [hbm4b:s0+s2], $0xFC00, $0x38;
	[tilespmem:$0x1F800] =	vst v63  }
0x186: {  	_ =	swait.ge [sflag:s7], $0xFC00  }
0x187: {  	[sflag:s7] =	ssyncset.done $0x0  }
0x188: {  	s0 =	rddreg [dreg:$0x10];
	[sflag:s7] =	ssyncadd.s32 $0xFFFF0400  }
0x189: {  	[hbm4b:s0+s2] =	stream.linear.scatter [tilespmem:s2], [sflag:$0x3], $0xFC00, $0x38;
	[tilespmem:$0x1F800] =	vst v63  }
0x18a: {  	_ =	swait.ge [sflag:s8], $0xFC00  }
0x18b: {  	[sflag:s8] =	ssyncset.done $0x0  }
0x18c: {  	s0 =	rddreg [dreg:$0x11];
	[sflag:s8] =	ssyncadd.s32 $0xFFFF0400  }
0x18d: {  	[tilespmem:s2], [sflag:$0x1] =	stream.linear.gather [hbm4b:s0+s2], $0xFC00, $0x38;
	[tilespmem:$0x1F800] =	vst v63  }
0x18e: {  	_ =	swait.ge [sflag:s16], $0xFC00  }
0x18f: {  	[sflag:s16] =	ssyncset.done $0x0  }
0x190: {  	s0 =	rddreg [dreg:$0x12];
	[sflag:s16] =	ssyncadd.s32 $0xFFFF0400  }
0x191: {  	[hbm4b:s0+s2] =	stream.linear.scatter [tilespmem:s11], [sflag:$0x4], $0xFC00, $0x38;
	[tilespmem:$0x1F800] =	vst v63  }
0x192: {  	_ =	swait.ge [sflag:s14], $0xFC00  }
0x193: {  	[sflag:s14] =	ssyncset.done $0x0  }
0x194: {  	s0 =	rddreg [dreg:$0x13];
	[sflag:s14] =	ssyncadd.s32 $0xFFFF0400  }
0x195: {  	[tilespmem:s11], [sflag:$0x2] =	stream.linear.gather [hbm4b:s0+s2], $0xFC00, $0x38;
	[tilespmem:$0x1F800] =	vst v63  }
0x196: {  	_ =	swait.ge [sflag:s7], $0xFC00  }
0x197: {  	[sflag:s7] =	ssyncset.done $0x0  }
0x198: {  	s0 =	rddreg [dreg:$0x14];
	[sflag:s7] =	ssyncadd.s32 $0xFFFF0400  }
0x199: {  	[hbm4b:s0+s2] =	stream.linear.scatter [tilespmem:s2], [sflag:$0x3], $0xFC00, $0x38;
	[tilespmem:$0x1F800] =	vst v63  }
0x19a: {  	_ =	swait.ge [sflag:s8], $0xFC00  }
0x19b: {  	[sflag:s8] =	ssyncset.done $0x0  }
0x19c: {  	s0 =	rddreg [dreg:$0x15];
	[sflag:s8] =	ssyncadd.s32 $0xFFFF0400  }
0x19d: {  	[tilespmem:s2], [sflag:$0x1] =	stream.linear.gather [hbm4b:s0+s2], $0xFC00, $0x38;
	[tilespmem:$0x1F800] =	vst v63  }
0x19e: {  	_ =	swait.ge [sflag:s16], $0xFC00  }
0x19f: {  	[sflag:s16] =	ssyncset.done $0x0  }
0x1a0: {  	s0 =	rddreg [dreg:$0x16];
	[sflag:s16] =	ssyncadd.s32 $0xFFFF0400  }
0x1a1: {  	[hbm4b:s0+s2] =	stream.linear.scatter [tilespmem:s11], [sflag:$0x4], $0xFC00, $0x38;
	[tilespmem:$0x1F800] =	vst v63  }
0x1a2: {  	_ =	swait.ge [sflag:s14], $0xFC00  }
0x1a3: {  	[sflag:s14] =	ssyncset.done $0x0  }
0x1a4: {  	s0 =	rddreg [dreg:$0x17];
	[sflag:s14] =	ssyncadd.s32 $0xFFFF0400  }
0x1a5: {  	[tilespmem:s11], [sflag:$0x2] =	stream.linear.gather [hbm4b:s0+s2], $0xFC00, $0x38;
	[tilespmem:$0x1F800] =	vst v63  }
0x1a6: {  	_ =	swait.ge [sflag:s7], $0xFC00  }
0x1a7: {  	[sflag:s7] =	ssyncset.done $0x0  }
0x1a8: {  	s0 =	rddreg [dreg:$0x18];
	[sflag:s7] =	ssyncadd.s32 $0xFFFF0400  }
0x1a9: {  	[hbm4b:s0+s2] =	stream.linear.scatter [tilespmem:s2], [sflag:$0x3], $0xFC00, $0x38;
	[tilespmem:$0x1F800] =	vst v63  }
0x1aa: {  	_ =	swait.ge [sflag:s8], $0xFC00  }
0x1ab: {  	[sflag:s8] =	ssyncset.done $0x0  }
0x1ac: {  	s0 =	rddreg [dreg:$0x19];
	[sflag:s8] =	ssyncadd.s32 $0xFFFF0400  }
0x1ad: {  	[tilespmem:s2], [sflag:$0x1] =	stream.linear.gather [hbm4b:s0+s2], $0xFC00, $0x38;
	[tilespmem:$0x1F800] =	vst v63  }
0x1ae: {  	_ =	swait.ge [sflag:s16], $0xFC00  }
0x1af: {  	[sflag:s16] =	ssyncset.done $0x0  }
0x1b0: {  	s0 =	rddreg [dreg:$0x1a];
	[sflag:s16] =	ssyncadd.s32 $0xFFFF0400  }
0x1b1: {  	[hbm4b:s0+s2] =	stream.linear.scatter [tilespmem:s11], [sflag:$0x4], $0xFC00, $0x38;
	[tilespmem:$0x1F800] =	vst v63  }
0x1b2: {  	_ =	swait.ge [sflag:s14], $0xFC00  }
0x1b3: {  	[sflag:s14] =	ssyncset.done $0x0  }
0x1b4: {  	s0 =	rddreg [dreg:$0x1b];
	[sflag:s14] =	ssyncadd.s32 $0xFFFF0400  }
0x1b5: {  	[tilespmem:s11], [sflag:$0x2] =	stream.linear.gather [hbm4b:s0+s2], $0xFC00, $0x38;
	[tilespmem:$0x1F800] =	vst v63  }
0x1b6: {  	_ =	swait.ge [sflag:s7], $0xFC00  }
0x1b7: {  	[sflag:s7] =	ssyncset.done $0x0  }
0x1b8: {  	s0 =	rddreg [dreg:$0x1c];
	[sflag:s7] =	ssyncadd.s32 $0xFFFF0400  }
0x1b9: {  	[hbm4b:s0+s2] =	stream.linear.scatter [tilespmem:s2], [sflag:$0x3], $0xFC00, $0x38;
	[tilespmem:$0x1F800] =	vst v63  }
0x1ba: {  	_ =	swait.ge [sflag:s8], $0xFC00  }
0x1bb: {  	[sflag:s8] =	ssyncset.done $0x0  }
0x1bc: {  	s0 =	rddreg [dreg:$0x1d];
	[sflag:s8] =	ssyncadd.s32 $0xFFFF0400  }
0x1bd: {  	[tilespmem:s2], [sflag:$0x1] =	stream.linear.gather [hbm4b:s0+s2], $0xFC00, $0x38;
	[tilespmem:$0x1F800] =	vst v63  }
0x1be: {  	_ =	swait.ge [sflag:s16], $0xFC00  }
0x1bf: {  	[sflag:s16] =	ssyncset.done $0x0  }
0x1c0: {  	s0 =	rddreg [dreg:$0x1e];
	[sflag:s16] =	ssyncadd.s32 $0xFFFF0400  }
0x1c1: {  	[hbm4b:s0+s2] =	stream.linear.scatter [tilespmem:s11], [sflag:$0x4], $0xFC00, $0x38;
	[tilespmem:$0x1F800] =	vst v63  }
0x1c2: {  	_ =	swait.ge [sflag:s14], $0xFC00  }
0x1c3: {  	[sflag:s14] =	ssyncset.done $0x0  }
0x1c4: {  	s0 =	rddreg [dreg:$0x1f];
	[sflag:s14] =	ssyncadd.s32 $0xFFFF0400  }
0x1c5: {  	[tilespmem:s11], [sflag:$0x2] =	stream.linear.gather [hbm4b:s0+s2], $0xFC00, $0x38;
	[tilespmem:$0x1F800] =	vst v63  }
0x1c6: {  	_ =	swait.ge [sflag:s7], $0xFC00  }
0x1c7: {  	s0 =	sld [smem:$0x7F0]  }
0x1c8: {  	[sflag:s7] =	ssyncset.done $0x0  }
0x1c9: {  	[sflag:s7] =	ssyncadd.s32 $0xFFFF0400  }
0x1ca: {  	[hbm4b:s0+s2] =	stream.linear.scatter [tilespmem:s2], [sflag:$0x3], $0xFC00, $0x38;
	[tilespmem:$0x1F800] =	vst v63  }
0x1cb: {  	_ =	swait.ge [sflag:s8], $0xFC00  }
0x1cc: {  	s0 =	sld [smem:$0x7F1]  }
0x1cd: {  	[sflag:s8] =	ssyncset.done $0x0  }
0x1ce: {  	[sflag:s8] =	ssyncadd.s32 $0xFFFF0400  }
0x1cf: {  	[tilespmem:s2], [sflag:$0x1] =	stream.linear.gather [hbm4b:s0+s2], $0xFC00, $0x38;
	[tilespmem:$0x1F800] =	vst v63  }
0x1d0: {  	_ =	swait.ge [sflag:s16], $0xFC00  }
0x1d1: {  	s0 =	sld [smem:$0x7F2]  }
0x1d2: {  	[sflag:s16] =	ssyncset.done $0x0  }
0x1d3: {  	[sflag:s16] =	ssyncadd.s32 $0xFFFF0400  }
0x1d4: {  	[hbm4b:s0+s2] =	stream.linear.scatter [tilespmem:s11], [sflag:$0x4], $0xFC00, $0x38;
	[tilespmem:$0x1F800] =	vst v63  }
0x1d5: {  	_ =	swait.ge [sflag:s14], $0xFC00  }
0x1d6: {  	s0 =	sld [smem:$0x7F3]  }
0x1d7: {  	[sflag:s14] =	ssyncset.done $0x0  }
0x1d8: {  	[sflag:s14] =	ssyncadd.s32 $0xFFFF0400  }
0x1d9: {  	[tilespmem:s11], [sflag:$0x2] =	stream.linear.gather [hbm4b:s0+s2], $0xFC00, $0x38;
	[tilespmem:$0x1F800] =	vst v63  }
0x1da: {  	_ =	swait.ge [sflag:s7], $0xFC00  }
0x1db: {  	s0 =	sld [smem:$0x7F4]  }
0x1dc: {  	[sflag:s7] =	ssyncset.done $0x0  }
0x1dd: {  	[sflag:s7] =	ssyncadd.s32 $0xFFFF0400  }
0x1de: {  	[hbm4b:s0+s2] =	stream.linear.scatter [tilespmem:s2], [sflag:$0x3], $0xFC00, $0x38;
	[tilespmem:$0x1F800] =	vst v63  }
0x1df: {  	_ =	swait.ge [sflag:s8], $0xFC00  }
0x1e0: {  	s0 =	sld [smem:$0x7F5]  }
0x1e1: {  	[sflag:s8] =	ssyncset.done $0x0  }
0x1e2: {  	[sflag:s8] =	ssyncadd.s32 $0xFFFF0400  }
0x1e3: {  	[tilespmem:s2], [sflag:$0x1] =	stream.linear.gather [hbm4b:s0+s2], $0xFC00, $0x38;
	[tilespmem:$0x1F800] =	vst v63  }
0x1e4: {  	_ =	swait.ge [sflag:s16], $0xFC00  }
0x1e5: {  	s0 =	sld [smem:$0x7F6]  }
0x1e6: {  	[sflag:s16] =	ssyncset.done $0x0  }
0x1e7: {  	[sflag:s16] =	ssyncadd.s32 $0xFFFF0400  }
0x1e8: {  	[hbm4b:s0+s2] =	stream.linear.scatter [tilespmem:s11], [sflag:$0x4], $0xFC00, $0x38;
	[tilespmem:$0x1F800] =	vst v63  }
0x1e9: {  	_ =	swait.ge [sflag:s14], $0xFC00  }
0x1ea: {  	s0 =	sld [smem:$0x7F7]  }
0x1eb: {  	[sflag:s14] =	ssyncset.done $0x0  }
0x1ec: {  	[sflag:s14] =	ssyncadd.s32 $0xFFFF0400  }
0x1ed: {  	[tilespmem:s11], [sflag:$0x2] =	stream.linear.gather [hbm4b:s0+s2], $0xFC00, $0x38;
	[tilespmem:$0x1F800] =	vst v63  }
0x1ee: {  	_ =	swait.ge [sflag:s7], $0xFC00  }
0x1ef: {  	s0 =	sld [smem:$0x7F8]  }
0x1f0: {  	[sflag:s7] =	ssyncset.done $0x0  }
0x1f1: {  	[sflag:s7] =	ssyncadd.s32 $0xFFFF0400  }
0x1f2: {  	[hbm4b:s0+s2] =	stream.linear.scatter [tilespmem:s2], [sflag:$0x3], $0xFC00, $0x38;
	[tilespmem:$0x1F800] =	vst v63  }
0x1f3: {  	_ =	swait.ge [sflag:s8], $0xFC00  }
0x1f4: {  	s0 =	sld [smem:$0x7F9]  }
0x1f5: {  	[sflag:s8] =	ssyncset.done $0x0  }
0x1f6: {  	[sflag:s8] =	ssyncadd.s32 $0xFFFF0400  }
0x1f7: {  	[tilespmem:s2], [sflag:$0x1] =	stream.linear.gather [hbm4b:s0+s2], $0xFC00, $0x38;
	[tilespmem:$0x1F800] =	vst v63  }
0x1f8: {  	_ =	swait.ge [sflag:s16], $0xFC00  }
0x1f9: {  	s0 =	sld [smem:$0x7FA]  }
0x1fa: {  	[sflag:s16] =	ssyncset.done $0x0  }
0x1fb: {  	[sflag:s16] =	ssyncadd.s32 $0xFFFF0400  }
0x1fc: {  	[hbm4b:s0+s2] =	stream.linear.scatter [tilespmem:s11], [sflag:$0x4], $0xFC00, $0x38;
	[tilespmem:$0x1F800] =	vst v63  }
0x1fd: {  	_ =	swait.ge [sflag:s14], $0xFC00  }
0x1fe: {  	s0 =	sld [smem:$0x7FB]  }
0x1ff: {  	[sflag:s14] =	ssyncset.done $0x0  }
0x200: {  	[sflag:s14] =	ssyncadd.s32 $0xFFFF0400  }
0x201: {  	[tilespmem:s11], [sflag:$0x2] =	stream.linear.gather [hbm4b:s0+s2], $0xFC00, $0x38;
	[tilespmem:$0x1F800] =	vst v63  }
0x202: {  	_ =	swait.ge [sflag:s7], $0xFC00  }
0x203: {  	s0 =	sld [smem:$0x7FC]  }
0x204: {  	[sflag:s7] =	ssyncset.done $0x0  }
0x205: {  	[sflag:s7] =	ssyncadd.s32 $0xFFFF0400  }
0x206: {  	[hbm4b:s0+s2] =	stream.linear.scatter [tilespmem:s2], [sflag:$0x3], $0xFC00, $0x38;
	[tilespmem:$0x1F800] =	vst v63  }
0x207: {  	s3 =	smov.u32 s4;
	_ =	swait.ge [sflag:s8], $0xFC00  }
0x208: {  	s4 =	smov.u32 s5;
	s5 =	smov.u32 s6;
	s0 =	sld [smem:$0x7FD]  }
0x209: {  	s6 =	smov.u32 s9;
	s9 =	smov.u32 s10;
	[sflag:s8] =	ssyncset.done $0x0  }
0x20a: {  	s10 =	smov.u32 s12;
	s12 =	smov.u32 s13;
	[sflag:s8] =	ssyncadd.s32 $0xFFFF0400  }
0x20b: {  	[tilespmem:s2], [sflag:$0x1] =	stream.linear.gather [hbm4b:s0+s2], $0xFC00, $0x38;
	[tilespmem:$0x1F800] =	vst v63  }
0x20c: {  	s13 =	smov.u32 s15;
	s15 =	smov.u32 s17;
	_ =	swait.ge [sflag:s16], $0xFC00  }
0x20d: {  	s17 =	smov.u32 s18;
	s18 =	smov.u32 s19;
	[sflag:s16] =	ssyncset.done $0x0  }
0x20e: {  	s19 =	smov.u32 s20;
	s20 =	smov.u32 s21;
	[sflag:s16] =	ssyncadd.s32 $0xFFFF0400  }
0x20f: {  	[hbm4b:s29+s2] =	stream.linear.scatter [tilespmem:s11], [sflag:$0x4], $0xFC00, $0x38;
	[tilespmem:$0x1F800] =	vst v63  }
0x210: {  	s21 =	smov.u32 s22;
	s22 =	smov.u32 s23;
	_ =	swait.ge [sflag:s14], $0xFC00  }
0x211: {  	s23 =	smov.u32 s24;
	s24 =	smov.u32 s25;
	[sflag:s14] =	ssyncset.done $0x0  }
0x212: {  	s25 =	smov.u32 s26;
	s26 =	smov.u32 s28;
	[sflag:s14] =	ssyncadd.s32 $0xFFFF0400  }
0x213: {  	[tilespmem:s11], [sflag:$0x2] =	stream.linear.gather [hbm4b:s26+s2], $0xFC00, $0x38;
	[tilespmem:$0x1F800] =	vst v63  }
0x214: {  	_ =	swait.ge [sflag:s7], $0xFC00  }
0x215: {  	[sflag:s7] =	ssyncset.done $0x0  }
0x216: {  	[sflag:s7] =	ssyncadd.s32 $0xFFFF0400  }
0x217: {  	[hbm4b:s25+s2] =	stream.linear.scatter [tilespmem:s2], [sflag:$0x3], $0xFC00, $0x38;
	[tilespmem:$0x1F800] =	vst v63  }
0x218: {  	_ =	swait.ge [sflag:s8], $0xFC00  }
0x219: {  	[sflag:s8] =	ssyncset.done $0x0  }
0x21a: {  	[sflag:s8] =	ssyncadd.s32 $0xFFFF0400  }
0x21b: {  	[tilespmem:s2], [sflag:$0x1] =	stream.linear.gather [hbm4b:s24+s2], $0xFC00, $0x38;
	[tilespmem:$0x1F800] =	vst v63  }
0x21c: {  	_ =	swait.ge [sflag:s16], $0xFC00  }
0x21d: {  	[sflag:s16] =	ssyncset.done $0x0  }
0x21e: {  	[sflag:s16] =	ssyncadd.s32 $0xFFFF0400  }
0x21f: {  	[hbm4b:s23+s2] =	stream.linear.scatter [tilespmem:s11], [sflag:$0x4], $0xFC00, $0x38;
	[tilespmem:$0x1F800] =	vst v63  }
0x220: {  	_ =	swait.ge [sflag:s14], $0xFC00  }
0x221: {  	[sflag:s14] =	ssyncset.done $0x0  }
0x222: {  	[sflag:s14] =	ssyncadd.s32 $0xFFFF0400  }
0x223: {  	[tilespmem:s11], [sflag:$0x2] =	stream.linear.gather [hbm4b:s22+s2], $0xFC00, $0x38;
	[tilespmem:$0x1F800] =	vst v63  }
0x224: {  	_ =	swait.ge [sflag:s7], $0xFC00  }
0x225: {  	[sflag:s7] =	ssyncset.done $0x0  }
0x226: {  	[sflag:s7] =	ssyncadd.s32 $0xFFFF0400  }
0x227: {  	[hbm4b:s21+s2] =	stream.linear.scatter [tilespmem:s2], [sflag:$0x3], $0xFC00, $0x38;
	[tilespmem:$0x1F800] =	vst v63  }
0x228: {  	_ =	swait.ge [sflag:s8], $0xFC00  }
0x229: {  	[sflag:s8] =	ssyncset.done $0x0  }
0x22a: {  	[sflag:s8] =	ssyncadd.s32 $0xFFFF0400  }
0x22b: {  	[tilespmem:s2], [sflag:$0x1] =	stream.linear.gather [hbm4b:s20+s2], $0xFC00, $0x38;
	[tilespmem:$0x1F800] =	vst v63  }
0x22c: {  	_ =	swait.ge [sflag:s16], $0xFC00  }
0x22d: {  	[sflag:s16] =	ssyncset.done $0x0  }
0x22e: {  	[sflag:s16] =	ssyncadd.s32 $0xFFFF0400  }
0x22f: {  	[hbm4b:s19+s2] =	stream.linear.scatter [tilespmem:s11], [sflag:$0x4], $0xFC00, $0x38;
	[tilespmem:$0x1F800] =	vst v63  }
0x230: {  	_ =	swait.ge [sflag:s14], $0xFC00  }
0x231: {  	[sflag:s14] =	ssyncset.done $0x0  }
0x232: {  	[sflag:s14] =	ssyncadd.s32 $0xFFFF0400  }
0x233: {  	[tilespmem:s11], [sflag:$0x2] =	stream.linear.gather [hbm4b:s18+s2], $0xFC00, $0x38;
	[tilespmem:$0x1F800] =	vst v63  }
0x234: {  	_ =	swait.ge [sflag:s7], $0xFC00  }
0x235: {  	[sflag:s7] =	ssyncset.done $0x0  }
0x236: {  	[sflag:s7] =	ssyncadd.s32 $0xFFFF0400  }
0x237: {  	[hbm4b:s17+s2] =	stream.linear.scatter [tilespmem:s2], [sflag:$0x3], $0xFC00, $0x38;
	[tilespmem:$0x1F800] =	vst v63  }
0x238: {  	_ =	swait.ge [sflag:s8], $0xFC00  }
0x239: {  	[sflag:s8] =	ssyncset.done $0x0  }
0x23a: {  	[sflag:s8] =	ssyncadd.s32 $0xFFFF0400  }
0x23b: {  	[tilespmem:s2], [sflag:$0x1] =	stream.linear.gather [hbm4b:s15+s2], $0xFC00, $0x38;
	[tilespmem:$0x1F800] =	vst v63  }
0x23c: {  	_ =	swait.ge [sflag:s16], $0xFC00  }
0x23d: {  	[sflag:s16] =	ssyncset.done $0x0  }
0x23e: {  	[sflag:s16] =	ssyncadd.s32 $0xFFFF0400  }
0x23f: {  	[hbm4b:s13+s2] =	stream.linear.scatter [tilespmem:s11], [sflag:$0x4], $0xFC00, $0x38;
	[tilespmem:$0x1F800] =	vst v63  }
0x240: {  	_ =	swait.ge [sflag:s14], $0xFC00  }
0x241: {  	[sflag:s14] =	ssyncset.done $0x0  }
0x242: {  	[sflag:s14] =	ssyncadd.s32 $0xFFFF0400  }
0x243: {  	[tilespmem:s11], [sflag:$0x2] =	stream.linear.gather [hbm4b:s12+s2], $0xFC00, $0x38;
	[tilespmem:$0x1F800] =	vst v63  }
0x244: {  	_ =	swait.ge [sflag:s7], $0xFC00  }
0x245: {  	[sflag:s7] =	ssyncset.done $0x0  }
0x246: {  	[sflag:s7] =	ssyncadd.s32 $0xFFFF0400  }
0x247: {  	[hbm4b:s10+s2] =	stream.linear.scatter [tilespmem:s2], [sflag:$0x3], $0xFC00, $0x38;
	[tilespmem:$0x1F800] =	vst v63  }
0x248: {  	_ =	swait.ge [sflag:s8], $0xFC00  }
0x249: {  	[sflag:s8] =	ssyncset.done $0x0  }
0x24a: {  	[sflag:s8] =	ssyncadd.s32 $0xFFFF0400  }
0x24b: {  	[tilespmem:s2], [sflag:$0x1] =	stream.linear.gather [hbm4b:s9+s2], $0xFC00, $0x38;
	[tilespmem:$0x1F800] =	vst v63  }
0x24c: {  	_ =	swait.ge [sflag:s16], $0xFC00  }
0x24d: {  	[sflag:s16] =	ssyncset.done $0x0  }
0x24e: {  	[sflag:s16] =	ssyncadd.s32 $0xFFFF0400  }
0x24f: {  	[hbm4b:s6+s2] =	stream.linear.scatter [tilespmem:s11], [sflag:$0x4], $0xFC00, $0x38;
	[tilespmem:$0x1F800] =	vst v63  }
0x250: {  	_ =	swait.ge [sflag:s14], $0xFC00  }
0x251: {  	[sflag:s14] =	ssyncset.done $0x0  }
0x252: {  	[sflag:s14] =	ssyncadd.s32 $0xFFFF0400  }
0x253: {  	_ =	swait.ge [sflag:s7], $0xFC00  }
0x254: {  	[sflag:s7] =	ssyncset.done $0x0  }
0x255: {  	[sflag:s7] =	ssyncadd.s32 $0xFFFF0400  }
0x256: {  	[hbm4b:s5+s2] =	stream.linear.scatter [tilespmem:s2], [sflag:$0x3], $0xFC00, $0x38;
	[tilespmem:$0x1F800] =	vst v63  }
0x257: {  	_ =	swait.ge [sflag:s8], $0xFC00  }
0x258: {  	[sflag:s8] =	ssyncset.done $0x0  }
0x259: {  	s1 =	sadd.s32 $0xFFFFFFFF, s1;
	s0 =	simm.s32 @!p0 $0x0;
	[sflag:s8] =	ssyncadd.s32 $0xFFFF0400  }
0x25a: {  	[tilespmem:s0], [sflag:$0x1] =	stream.linear.gather @!p0 [hbm4b:s4+s0], $0x1000, $0x38;
	[tilespmem:$0x1F800] =	vst v63  }
0x25b: {  	p2 =	sne.s32 s1, $0x0;
	_ =	swait.ge @!p0 [sflag:s31], $0x1000  }
.Ltmp2:
0x25c: {  	[sflag:s31] =	ssyncset.done @!p0 $0x0;
	(pc) =	sbr.rel @p2 .LBB2_4-.Ltmp2, $4  }
0x25d: {  	[sflag:s31] =	ssyncadd.s32 @!p0 $0xFFFFF000  }
0x25e: {  	[hbm4b:s3+s0] =	stream.linear.scatter @!p0 [tilespmem:s0], [sflag:$0x3], $0x1000, $0x38;
	[tilespmem:$0x1F800] =	vst v63  }
0x25f: {  	_ =	swait.ge @!p0 [sflag:s30], $0x1000  }
0x260: {  	s28 =	smov.u32 s29;
	s0 =	rddreg [dreg:$0x2];
	[sflag:s30] =	ssyncset.done @!p0 $0x0  }
0x261: {  	s29 =	stileid.u32;
	s31 =	rddreg [dreg:$0x1]  }
.LBB2_6:
0x262: {  	p1 =	por p0, !p1  }
0x263: {  	[sflag:s30] =	ssyncadd.s32 @!p1 $0xFFFFF000  }
0x264: {  	[tilespmem:s2], [sflag:$0x1] =	stream.linear.gather [hbm4b:s0+s2], $0xFC00, $0x38;
	[tilespmem:$0x1F800] =	vst v63  }
0x265: {  	s1 =	rddreg [dreg:$0x3]  }
0x266: {  	[tilespmem:s11], [sflag:$0x2] =	stream.linear.gather [hbm4b:s1+s2], $0xFC00, $0x38;
	[tilespmem:$0x1F800] =	vst v63  }
0x267: {  	_ =	swait.ge [sflag:s7], $0xFC00  }
0x268: {  	[sflag:s7] =	ssyncset.done $0x0  }
0x269: {  	s1 =	rddreg [dreg:$0x4];
	[sflag:s7] =	ssyncadd.s32 $0xFFFF0400  }
0x26a: {  	[hbm4b:s1+s2] =	stream.linear.scatter [tilespmem:s2], [sflag:$0x3], $0xFC00, $0x38;
	[tilespmem:$0x1F800] =	vst v63  }
0x26b: {  	_ =	swait.ge [sflag:s8], $0xFC00  }
0x26c: {  	[sflag:s8] =	ssyncset.done $0x0  }
0x26d: {  	s30 =	rddreg [dreg:$0x5];
	[sflag:s8] =	ssyncadd.s32 $0xFFFF0400  }
0x26e: {  	[tilespmem:s2], [sflag:$0x1] =	stream.linear.gather [hbm4b:s30+s2], $0xFC00, $0x38;
	[tilespmem:$0x1F800] =	vst v63  }
0x26f: {  	_ =	swait.ge [sflag:s16], $0xFC00  }
0x270: {  	[sflag:s16] =	ssyncset.done $0x0  }
0x271: {  	s1 =	rddreg [dreg:$0x6];
	[sflag:s16] =	ssyncadd.s32 $0xFFFF0400  }
0x272: {  	[hbm4b:s1+s2] =	stream.linear.scatter [tilespmem:s11], [sflag:$0x4], $0xFC00, $0x38;
	[tilespmem:$0x1F800] =	vst v63  }
0x273: {  	_ =	swait.ge [sflag:s14], $0xFC00  }
0x274: {  	[sflag:s14] =	ssyncset.done $0x0  }
0x275: {  	s30 =	rddreg [dreg:$0x7];
	[sflag:s14] =	ssyncadd.s32 $0xFFFF0400  }
0x276: {  	[tilespmem:s11], [sflag:$0x2] =	stream.linear.gather [hbm4b:s30+s2], $0xFC00, $0x38;
	[tilespmem:$0x1F800] =	vst v63  }
0x277: {  	_ =	swait.ge [sflag:s7], $0xFC00  }
0x278: {  	[sflag:s7] =	ssyncset.done $0x0  }
0x279: {  	s1 =	rddreg [dreg:$0x8];
	[sflag:s7] =	ssyncadd.s32 $0xFFFF0400  }
0x27a: {  	[hbm4b:s1+s2] =	stream.linear.scatter [tilespmem:s2], [sflag:$0x3], $0xFC00, $0x38;
	[tilespmem:$0x1F800] =	vst v63  }
0x27b: {  	_ =	swait.ge [sflag:s8], $0xFC00  }
0x27c: {  	[sflag:s8] =	ssyncset.done $0x0  }
0x27d: {  	s30 =	rddreg [dreg:$0x9];
	[sflag:s8] =	ssyncadd.s32 $0xFFFF0400  }
0x27e: {  	[tilespmem:s2], [sflag:$0x1] =	stream.linear.gather [hbm4b:s30+s2], $0xFC00, $0x38;
	[tilespmem:$0x1F800] =	vst v63  }
0x27f: {  	_ =	swait.ge [sflag:s16], $0xFC00  }
0x280: {  	[sflag:s16] =	ssyncset.done $0x0  }
0x281: {  	s1 =	rddreg [dreg:$0xa];
	[sflag:s16] =	ssyncadd.s32 $0xFFFF0400  }
0x282: {  	[hbm4b:s1+s2] =	stream.linear.scatter [tilespmem:s11], [sflag:$0x4], $0xFC00, $0x38;
	[tilespmem:$0x1F800] =	vst v63  }
0x283: {  	_ =	swait.ge [sflag:s14], $0xFC00  }
0x284: {  	[sflag:s14] =	ssyncset.done $0x0  }
0x285: {  	s30 =	rddreg [dreg:$0xb];
	[sflag:s14] =	ssyncadd.s32 $0xFFFF0400  }
0x286: {  	[tilespmem:s11], [sflag:$0x2] =	stream.linear.gather [hbm4b:s30+s2], $0xFC00, $0x38;
	[tilespmem:$0x1F800] =	vst v63  }
0x287: {  	_ =	swait.ge [sflag:s7], $0xFC00  }
0x288: {  	[sflag:s7] =	ssyncset.done $0x0  }
0x289: {  	s1 =	rddreg [dreg:$0xc];
	[sflag:s7] =	ssyncadd.s32 $0xFFFF0400  }
0x28a: {  	[hbm4b:s1+s2] =	stream.linear.scatter [tilespmem:s2], [sflag:$0x3], $0xFC00, $0x38;
	[tilespmem:$0x1F800] =	vst v63  }
0x28b: {  	_ =	swait.ge [sflag:s8], $0xFC00  }
0x28c: {  	[sflag:s8] =	ssyncset.done $0x0  }
0x28d: {  	s30 =	rddreg [dreg:$0xd];
	[sflag:s8] =	ssyncadd.s32 $0xFFFF0400  }
0x28e: {  	[tilespmem:s2], [sflag:$0x1] =	stream.linear.gather [hbm4b:s30+s2], $0xFC00, $0x38;
	[tilespmem:$0x1F800] =	vst v63  }
0x28f: {  	_ =	swait.ge [sflag:s16], $0xFC00  }
0x290: {  	[sflag:s16] =	ssyncset.done $0x0  }
0x291: {  	s1 =	rddreg [dreg:$0xe];
	[sflag:s16] =	ssyncadd.s32 $0xFFFF0400  }
0x292: {  	[hbm4b:s1+s2] =	stream.linear.scatter [tilespmem:s11], [sflag:$0x4], $0xFC00, $0x38;
	[tilespmem:$0x1F800] =	vst v63  }
0x293: {  	_ =	swait.ge [sflag:s14], $0xFC00  }
0x294: {  	[sflag:s14] =	ssyncset.done $0x0  }
0x295: {  	s30 =	rddreg [dreg:$0xf];
	[sflag:s14] =	ssyncadd.s32 $0xFFFF0400  }
0x296: {  	[tilespmem:s11], [sflag:$0x2] =	stream.linear.gather [hbm4b:s30+s2], $0xFC00, $0x38;
	[tilespmem:$0x1F800] =	vst v63  }
0x297: {  	_ =	swait.ge [sflag:s7], $0xFC00  }
0x298: {  	[sflag:s7] =	ssyncset.done $0x0  }
0x299: {  	s1 =	rddreg [dreg:$0x10];
	[sflag:s7] =	ssyncadd.s32 $0xFFFF0400  }
0x29a: {  	[hbm4b:s1+s2] =	stream.linear.scatter [tilespmem:s2], [sflag:$0x3], $0xFC00, $0x38;
	[tilespmem:$0x1F800] =	vst v63  }
0x29b: {  	_ =	swait.ge [sflag:s8], $0xFC00  }
0x29c: {  	[sflag:s8] =	ssyncset.done $0x0  }
0x29d: {  	s30 =	rddreg [dreg:$0x11];
	[sflag:s8] =	ssyncadd.s32 $0xFFFF0400  }
0x29e: {  	[tilespmem:s2], [sflag:$0x1] =	stream.linear.gather [hbm4b:s30+s2], $0xFC00, $0x38;
	[tilespmem:$0x1F800] =	vst v63  }
0x29f: {  	_ =	swait.ge [sflag:s16], $0xFC00  }
0x2a0: {  	[sflag:s16] =	ssyncset.done $0x0  }
0x2a1: {  	s1 =	rddreg [dreg:$0x12];
	[sflag:s16] =	ssyncadd.s32 $0xFFFF0400  }
0x2a2: {  	[hbm4b:s1+s2] =	stream.linear.scatter [tilespmem:s11], [sflag:$0x4], $0xFC00, $0x38;
	[tilespmem:$0x1F800] =	vst v63  }
0x2a3: {  	_ =	swait.ge [sflag:s14], $0xFC00  }
0x2a4: {  	[sflag:s14] =	ssyncset.done $0x0  }
0x2a5: {  	s30 =	rddreg [dreg:$0x13];
	[sflag:s14] =	ssyncadd.s32 $0xFFFF0400  }
0x2a6: {  	[tilespmem:s11], [sflag:$0x2] =	stream.linear.gather [hbm4b:s30+s2], $0xFC00, $0x38;
	[tilespmem:$0x1F800] =	vst v63  }
0x2a7: {  	_ =	swait.ge [sflag:s7], $0xFC00  }
0x2a8: {  	[sflag:s7] =	ssyncset.done $0x0  }
0x2a9: {  	s1 =	rddreg [dreg:$0x14];
	[sflag:s7] =	ssyncadd.s32 $0xFFFF0400  }
0x2aa: {  	[hbm4b:s1+s2] =	stream.linear.scatter [tilespmem:s2], [sflag:$0x3], $0xFC00, $0x38;
	[tilespmem:$0x1F800] =	vst v63  }
0x2ab: {  	_ =	swait.ge [sflag:s8], $0xFC00  }
0x2ac: {  	[sflag:s8] =	ssyncset.done $0x0  }
0x2ad: {  	s30 =	rddreg [dreg:$0x15];
	[sflag:s8] =	ssyncadd.s32 $0xFFFF0400  }
0x2ae: {  	[tilespmem:s2], [sflag:$0x1] =	stream.linear.gather [hbm4b:s30+s2], $0xFC00, $0x38;
	[tilespmem:$0x1F800] =	vst v63  }
0x2af: {  	_ =	swait.ge [sflag:s16], $0xFC00  }
0x2b0: {  	[sflag:s16] =	ssyncset.done $0x0  }
0x2b1: {  	s1 =	rddreg [dreg:$0x16];
	[sflag:s16] =	ssyncadd.s32 $0xFFFF0400  }
0x2b2: {  	[hbm4b:s1+s2] =	stream.linear.scatter [tilespmem:s11], [sflag:$0x4], $0xFC00, $0x38;
	[tilespmem:$0x1F800] =	vst v63  }
0x2b3: {  	_ =	swait.ge [sflag:s14], $0xFC00  }
0x2b4: {  	[sflag:s14] =	ssyncset.done $0x0  }
0x2b5: {  	s30 =	rddreg [dreg:$0x17];
	[sflag:s14] =	ssyncadd.s32 $0xFFFF0400  }
0x2b6: {  	[tilespmem:s11], [sflag:$0x2] =	stream.linear.gather [hbm4b:s30+s2], $0xFC00, $0x38;
	[tilespmem:$0x1F800] =	vst v63  }
0x2b7: {  	_ =	swait.ge [sflag:s7], $0xFC00  }
0x2b8: {  	[sflag:s7] =	ssyncset.done $0x0  }
0x2b9: {  	s1 =	rddreg [dreg:$0x18];
	[sflag:s7] =	ssyncadd.s32 $0xFFFF0400  }
0x2ba: {  	[hbm4b:s1+s2] =	stream.linear.scatter [tilespmem:s2], [sflag:$0x3], $0xFC00, $0x38;
	[tilespmem:$0x1F800] =	vst v63  }
0x2bb: {  	_ =	swait.ge [sflag:s8], $0xFC00  }
0x2bc: {  	[sflag:s8] =	ssyncset.done $0x0  }
0x2bd: {  	s30 =	rddreg [dreg:$0x19];
	[sflag:s8] =	ssyncadd.s32 $0xFFFF0400  }
0x2be: {  	[tilespmem:s2], [sflag:$0x1] =	stream.linear.gather [hbm4b:s30+s2], $0xFC00, $0x38;
	[tilespmem:$0x1F800] =	vst v63  }
0x2bf: {  	_ =	swait.ge [sflag:s16], $0xFC00  }
0x2c0: {  	[sflag:s16] =	ssyncset.done $0x0  }
0x2c1: {  	s1 =	rddreg [dreg:$0x1a];
	[sflag:s16] =	ssyncadd.s32 $0xFFFF0400  }
0x2c2: {  	[hbm4b:s1+s2] =	stream.linear.scatter [tilespmem:s11], [sflag:$0x4], $0xFC00, $0x38;
	[tilespmem:$0x1F800] =	vst v63  }
0x2c3: {  	_ =	swait.ge [sflag:s14], $0xFC00  }
0x2c4: {  	[sflag:s14] =	ssyncset.done $0x0  }
0x2c5: {  	s30 =	rddreg [dreg:$0x1b];
	[sflag:s14] =	ssyncadd.s32 $0xFFFF0400  }
0x2c6: {  	[tilespmem:s11], [sflag:$0x2] =	stream.linear.gather [hbm4b:s30+s2], $0xFC00, $0x38;
	[tilespmem:$0x1F800] =	vst v63  }
0x2c7: {  	_ =	swait.ge [sflag:s7], $0xFC00  }
0x2c8: {  	[sflag:s7] =	ssyncset.done $0x0  }
0x2c9: {  	s1 =	rddreg [dreg:$0x1c];
	[sflag:s7] =	ssyncadd.s32 $0xFFFF0400  }
0x2ca: {  	[hbm4b:s1+s2] =	stream.linear.scatter [tilespmem:s2], [sflag:$0x3], $0xFC00, $0x38;
	[tilespmem:$0x1F800] =	vst v63  }
0x2cb: {  	_ =	swait.ge [sflag:s8], $0xFC00  }
0x2cc: {  	[sflag:s8] =	ssyncset.done $0x0  }
0x2cd: {  	s30 =	rddreg [dreg:$0x1d];
	[sflag:s8] =	ssyncadd.s32 $0xFFFF0400  }
0x2ce: {  	[tilespmem:s2], [sflag:$0x1] =	stream.linear.gather [hbm4b:s30+s2], $0xFC00, $0x38;
	[tilespmem:$0x1F800] =	vst v63  }
0x2cf: {  	_ =	swait.ge [sflag:s16], $0xFC00  }
0x2d0: {  	[sflag:s16] =	ssyncset.done $0x0  }
0x2d1: {  	s1 =	rddreg [dreg:$0x1e];
	[sflag:s16] =	ssyncadd.s32 $0xFFFF0400  }
0x2d2: {  	[hbm4b:s1+s2] =	stream.linear.scatter [tilespmem:s11], [sflag:$0x4], $0xFC00, $0x38;
	[tilespmem:$0x1F800] =	vst v63  }
0x2d3: {  	_ =	swait.ge [sflag:s14], $0xFC00  }
0x2d4: {  	[sflag:s14] =	ssyncset.done $0x0  }
0x2d5: {  	s30 =	rddreg [dreg:$0x1f];
	[sflag:s14] =	ssyncadd.s32 $0xFFFF0400  }
0x2d6: {  	[tilespmem:s11], [sflag:$0x2] =	stream.linear.gather [hbm4b:s30+s2], $0xFC00, $0x38;
	[tilespmem:$0x1F800] =	vst v63  }
0x2d7: {  	_ =	swait.ge [sflag:s7], $0xFC00  }
0x2d8: {  	s1 =	sld [smem:$0x7F0]  }
0x2d9: {  	[sflag:s7] =	ssyncset.done $0x0  }
0x2da: {  	[sflag:s7] =	ssyncadd.s32 $0xFFFF0400  }
0x2db: {  	[hbm4b:s1+s2] =	stream.linear.scatter [tilespmem:s2], [sflag:$0x3], $0xFC00, $0x38;
	[tilespmem:$0x1F800] =	vst v63  }
0x2dc: {  	_ =	swait.ge [sflag:s8], $0xFC00  }
0x2dd: {  	s30 =	sld [smem:$0x7F1]  }
0x2de: {  	[sflag:s8] =	ssyncset.done $0x0  }
0x2df: {  	[sflag:s8] =	ssyncadd.s32 $0xFFFF0400  }
0x2e0: {  	[tilespmem:s2], [sflag:$0x1] =	stream.linear.gather [hbm4b:s30+s2], $0xFC00, $0x38;
	[tilespmem:$0x1F800] =	vst v63  }
0x2e1: {  	_ =	swait.ge [sflag:s16], $0xFC00  }
0x2e2: {  	s1 =	sld [smem:$0x7F2]  }
0x2e3: {  	[sflag:s16] =	ssyncset.done $0x0  }
0x2e4: {  	[sflag:s16] =	ssyncadd.s32 $0xFFFF0400  }
0x2e5: {  	[hbm4b:s1+s2] =	stream.linear.scatter [tilespmem:s11], [sflag:$0x4], $0xFC00, $0x38;
	[tilespmem:$0x1F800] =	vst v63  }
0x2e6: {  	_ =	swait.ge [sflag:s14], $0xFC00  }
0x2e7: {  	s30 =	sld [smem:$0x7F3]  }
0x2e8: {  	[sflag:s14] =	ssyncset.done $0x0  }
0x2e9: {  	[sflag:s14] =	ssyncadd.s32 $0xFFFF0400  }
0x2ea: {  	[tilespmem:s11], [sflag:$0x2] =	stream.linear.gather [hbm4b:s30+s2], $0xFC00, $0x38;
	[tilespmem:$0x1F800] =	vst v63  }
0x2eb: {  	_ =	swait.ge [sflag:s7], $0xFC00  }
0x2ec: {  	s1 =	sld [smem:$0x7F4]  }
0x2ed: {  	[sflag:s7] =	ssyncset.done $0x0  }
0x2ee: {  	[sflag:s7] =	ssyncadd.s32 $0xFFFF0400  }
0x2ef: {  	[hbm4b:s1+s2] =	stream.linear.scatter [tilespmem:s2], [sflag:$0x3], $0xFC00, $0x38;
	[tilespmem:$0x1F800] =	vst v63  }
0x2f0: {  	_ =	swait.ge [sflag:s8], $0xFC00  }
0x2f1: {  	s30 =	sld [smem:$0x7F5]  }
0x2f2: {  	[sflag:s8] =	ssyncset.done $0x0  }
0x2f3: {  	[sflag:s8] =	ssyncadd.s32 $0xFFFF0400  }
0x2f4: {  	[tilespmem:s2], [sflag:$0x1] =	stream.linear.gather [hbm4b:s30+s2], $0xFC00, $0x38;
	[tilespmem:$0x1F800] =	vst v63  }
0x2f5: {  	_ =	swait.ge [sflag:s16], $0xFC00  }
0x2f6: {  	s1 =	sld [smem:$0x7F6]  }
0x2f7: {  	[sflag:s16] =	ssyncset.done $0x0  }
0x2f8: {  	[sflag:s16] =	ssyncadd.s32 $0xFFFF0400  }
0x2f9: {  	[hbm4b:s1+s2] =	stream.linear.scatter [tilespmem:s11], [sflag:$0x4], $0xFC00, $0x38;
	[tilespmem:$0x1F800] =	vst v63  }
0x2fa: {  	_ =	swait.ge [sflag:s14], $0xFC00  }
0x2fb: {  	s30 =	sld [smem:$0x7F7]  }
0x2fc: {  	[sflag:s14] =	ssyncset.done $0x0  }
0x2fd: {  	[sflag:s14] =	ssyncadd.s32 $0xFFFF0400  }
0x2fe: {  	[tilespmem:s11], [sflag:$0x2] =	stream.linear.gather [hbm4b:s30+s2], $0xFC00, $0x38;
	[tilespmem:$0x1F800] =	vst v63  }
0x2ff: {  	_ =	swait.ge [sflag:s7], $0xFC00  }
0x300: {  	s1 =	sld [smem:$0x7F8]  }
0x301: {  	[sflag:s7] =	ssyncset.done $0x0  }
0x302: {  	[sflag:s7] =	ssyncadd.s32 $0xFFFF0400  }
0x303: {  	[hbm4b:s1+s2] =	stream.linear.scatter [tilespmem:s2], [sflag:$0x3], $0xFC00, $0x38;
	[tilespmem:$0x1F800] =	vst v63  }
0x304: {  	_ =	swait.ge [sflag:s8], $0xFC00  }
0x305: {  	s30 =	sld [smem:$0x7F9]  }
0x306: {  	[sflag:s8] =	ssyncset.done $0x0  }
0x307: {  	[sflag:s8] =	ssyncadd.s32 $0xFFFF0400  }
0x308: {  	[tilespmem:s2], [sflag:$0x1] =	stream.linear.gather [hbm4b:s30+s2], $0xFC00, $0x38;
	[tilespmem:$0x1F800] =	vst v63  }
0x309: {  	_ =	swait.ge [sflag:s16], $0xFC00  }
0x30a: {  	s1 =	sld [smem:$0x7FA]  }
0x30b: {  	[sflag:s16] =	ssyncset.done $0x0  }
0x30c: {  	[sflag:s16] =	ssyncadd.s32 $0xFFFF0400  }
0x30d: {  	[hbm4b:s1+s2] =	stream.linear.scatter [tilespmem:s11], [sflag:$0x4], $0xFC00, $0x38;
	[tilespmem:$0x1F800] =	vst v63  }
0x30e: {  	_ =	swait.ge [sflag:s14], $0xFC00  }
0x30f: {  	s30 =	sld [smem:$0x7FB]  }
0x310: {  	[sflag:s14] =	ssyncset.done $0x0  }
0x311: {  	[sflag:s14] =	ssyncadd.s32 $0xFFFF0400  }
0x312: {  	[tilespmem:s11], [sflag:$0x2] =	stream.linear.gather [hbm4b:s30+s2], $0xFC00, $0x38;
	[tilespmem:$0x1F800] =	vst v63  }
0x313: {  	_ =	swait.ge [sflag:s7], $0xFC00  }
0x314: {  	s1 =	sld [smem:$0x7FC]  }
0x315: {  	[sflag:s7] =	ssyncset.done $0x0  }
0x316: {  	[sflag:s7] =	ssyncadd.s32 $0xFFFF0400  }
0x317: {  	[hbm4b:s1+s2] =	stream.linear.scatter [tilespmem:s2], [sflag:$0x3], $0xFC00, $0x38;
	[tilespmem:$0x1F800] =	vst v63  }
0x318: {  	_ =	swait.ge [sflag:s8], $0xFC00  }
0x319: {  	s30 =	sld [smem:$0x7FD]  }
0x31a: {  	[sflag:s8] =	ssyncset.done $0x0  }
0x31b: {  	[sflag:s8] =	ssyncadd.s32 $0xFFFF0400  }
0x31c: {  	[tilespmem:s2], [sflag:$0x1] =	stream.linear.gather [hbm4b:s30+s2], $0xFC00, $0x38;
	[tilespmem:$0x1F800] =	vst v63  }
0x31d: {  	_ =	swait.ge [sflag:s16], $0xFC00  }
0x31e: {  	[sflag:s16] =	ssyncset.done $0x0  }
0x31f: {  	[sflag:s16] =	ssyncadd.s32 $0xFFFF0400  }
0x320: {  	[hbm4b:s28+s2] =	stream.linear.scatter [tilespmem:s11], [sflag:$0x4], $0xFC00, $0x38;
	[tilespmem:$0x1F800] =	vst v63  }
0x321: {  	_ =	swait.ge [sflag:s14], $0xFC00  }
0x322: {  	[sflag:s14] =	ssyncset.done $0x0  }
0x323: {  	[sflag:s14] =	ssyncadd.s32 $0xFFFF0400  }
0x324: {  	[tilespmem:s11], [sflag:$0x2] =	stream.linear.gather [hbm4b:s26+s2], $0xFC00, $0x38;
	[tilespmem:$0x1F800] =	vst v63  }
0x325: {  	_ =	swait.ge [sflag:s7], $0xFC00  }
0x326: {  	[sflag:s7] =	ssyncset.done $0x0  }
0x327: {  	[sflag:s7] =	ssyncadd.s32 $0xFFFF0400  }
0x328: {  	[hbm4b:s25+s2] =	stream.linear.scatter [tilespmem:s2], [sflag:$0x3], $0xFC00, $0x38;
	[tilespmem:$0x1F800] =	vst v63  }
0x329: {  	_ =	swait.ge [sflag:s8], $0xFC00  }
0x32a: {  	[sflag:s8] =	ssyncset.done $0x0  }
0x32b: {  	[sflag:s8] =	ssyncadd.s32 $0xFFFF0400  }
0x32c: {  	[tilespmem:s2], [sflag:$0x1] =	stream.linear.gather [hbm4b:s24+s2], $0xFC00, $0x38;
	[tilespmem:$0x1F800] =	vst v63  }
0x32d: {  	_ =	swait.ge [sflag:s16], $0xFC00  }
0x32e: {  	[sflag:s16] =	ssyncset.done $0x0  }
0x32f: {  	[sflag:s16] =	ssyncadd.s32 $0xFFFF0400  }
0x330: {  	[hbm4b:s23+s2] =	stream.linear.scatter [tilespmem:s11], [sflag:$0x4], $0xFC00, $0x38;
	[tilespmem:$0x1F800] =	vst v63  }
0x331: {  	_ =	swait.ge [sflag:s14], $0xFC00  }
0x332: {  	[sflag:s14] =	ssyncset.done $0x0  }
0x333: {  	[sflag:s14] =	ssyncadd.s32 $0xFFFF0400  }
0x334: {  	[tilespmem:s11], [sflag:$0x2] =	stream.linear.gather [hbm4b:s22+s2], $0xFC00, $0x38;
	[tilespmem:$0x1F800] =	vst v63  }
0x335: {  	_ =	swait.ge [sflag:s7], $0xFC00  }
0x336: {  	[sflag:s7] =	ssyncset.done $0x0  }
0x337: {  	[sflag:s7] =	ssyncadd.s32 $0xFFFF0400  }
0x338: {  	[hbm4b:s21+s2] =	stream.linear.scatter [tilespmem:s2], [sflag:$0x3], $0xFC00, $0x38;
	[tilespmem:$0x1F800] =	vst v63  }
0x339: {  	_ =	swait.ge [sflag:s8], $0xFC00  }
0x33a: {  	[sflag:s8] =	ssyncset.done $0x0  }
0x33b: {  	[sflag:s8] =	ssyncadd.s32 $0xFFFF0400  }
0x33c: {  	[tilespmem:s2], [sflag:$0x1] =	stream.linear.gather [hbm4b:s20+s2], $0xFC00, $0x38;
	[tilespmem:$0x1F800] =	vst v63  }
0x33d: {  	_ =	swait.ge [sflag:s16], $0xFC00  }
0x33e: {  	[sflag:s16] =	ssyncset.done $0x0  }
0x33f: {  	[sflag:s16] =	ssyncadd.s32 $0xFFFF0400  }
0x340: {  	[hbm4b:s19+s2] =	stream.linear.scatter [tilespmem:s11], [sflag:$0x4], $0xFC00, $0x38;
	[tilespmem:$0x1F800] =	vst v63  }
0x341: {  	_ =	swait.ge [sflag:s14], $0xFC00  }
0x342: {  	[sflag:s14] =	ssyncset.done $0x0  }
0x343: {  	[sflag:s14] =	ssyncadd.s32 $0xFFFF0400  }
0x344: {  	[tilespmem:s11], [sflag:$0x2] =	stream.linear.gather [hbm4b:s18+s2], $0xFC00, $0x38;
	[tilespmem:$0x1F800] =	vst v63  }
0x345: {  	_ =	swait.ge [sflag:s7], $0xFC00  }
0x346: {  	[sflag:s7] =	ssyncset.done $0x0  }
0x347: {  	[sflag:s7] =	ssyncadd.s32 $0xFFFF0400  }
0x348: {  	[hbm4b:s17+s2] =	stream.linear.scatter [tilespmem:s2], [sflag:$0x3], $0xFC00, $0x38;
	[tilespmem:$0x1F800] =	vst v63  }
0x349: {  	_ =	swait.ge [sflag:s8], $0xFC00  }
0x34a: {  	[sflag:s8] =	ssyncset.done $0x0  }
0x34b: {  	[sflag:s8] =	ssyncadd.s32 $0xFFFF0400  }
0x34c: {  	[tilespmem:s2], [sflag:$0x1] =	stream.linear.gather [hbm4b:s15+s2], $0xFC00, $0x38;
	[tilespmem:$0x1F800] =	vst v63  }
0x34d: {  	_ =	swait.ge [sflag:s16], $0xFC00  }
0x34e: {  	[sflag:s16] =	ssyncset.done $0x0  }
0x34f: {  	[sflag:s16] =	ssyncadd.s32 $0xFFFF0400  }
0x350: {  	[hbm4b:s13+s2] =	stream.linear.scatter [tilespmem:s11], [sflag:$0x4], $0xFC00, $0x38;
	[tilespmem:$0x1F800] =	vst v63  }
0x351: {  	_ =	swait.ge [sflag:s14], $0xFC00  }
0x352: {  	[sflag:s14] =	ssyncset.done $0x0  }
0x353: {  	[sflag:s14] =	ssyncadd.s32 $0xFFFF0400  }
0x354: {  	[tilespmem:s11], [sflag:$0x2] =	stream.linear.gather [hbm4b:s12+s2], $0xFC00, $0x38;
	[tilespmem:$0x1F800] =	vst v63  }
0x355: {  	_ =	swait.ge [sflag:s7], $0xFC00  }
0x356: {  	[sflag:s7] =	ssyncset.done $0x0  }
0x357: {  	[sflag:s7] =	ssyncadd.s32 $0xFFFF0400  }
0x358: {  	[hbm4b:s10+s2] =	stream.linear.scatter [tilespmem:s2], [sflag:$0x3], $0xFC00, $0x38;
	[tilespmem:$0x1F800] =	vst v63  }
0x359: {  	_ =	swait.ge [sflag:s8], $0xFC00  }
0x35a: {  	[sflag:s8] =	ssyncset.done $0x0  }
0x35b: {  	[sflag:s8] =	ssyncadd.s32 $0xFFFF0400  }
0x35c: {  	[tilespmem:s2], [sflag:$0x1] =	stream.linear.gather [hbm4b:s9+s2], $0xFC00, $0x38;
	[tilespmem:$0x1F800] =	vst v63  }
0x35d: {  	_ =	swait.ge [sflag:s16], $0xFC00  }
0x35e: {  	[sflag:s16] =	ssyncset.done $0x0  }
0x35f: {  	[sflag:s16] =	ssyncadd.s32 $0xFFFF0400  }
0x360: {  	[hbm4b:s6+s2] =	stream.linear.scatter [tilespmem:s11], [sflag:$0x4], $0xFC00, $0x38;
	[tilespmem:$0x1F800] =	vst v63  }
0x361: {  	_ =	swait.ge [sflag:s14], $0xFC00  }
0x362: {  	[sflag:s14] =	ssyncset.done $0x0  }
0x363: {  	[sflag:s14] =	ssyncadd.s32 $0xFFFF0400  }
0x364: {  	_ =	swait.ge [sflag:s7], $0xFC00  }
0x365: {  	[sflag:s7] =	ssyncset.done $0x0  }
0x366: {  	[sflag:s7] =	ssyncadd.s32 $0xFFFF0400  }
0x367: {  	[hbm4b:s5+s2] =	stream.linear.scatter [tilespmem:s2], [sflag:$0x3], $0xFC00, $0x38;
	[tilespmem:$0x1F800] =	vst v63  }
0x368: {  	_ =	swait.ge [sflag:s8], $0xFC00  }
0x369: {  	[sflag:s8] =	ssyncset.done $0x0  }
0x36a: {  	s0 =	simm.s32 @!p0 $0x0;
	s1 =	simm.s32 @!p0 $0x1;
	[sflag:s8] =	ssyncadd.s32 $0xFFFF0400  }
0x36b: {  	[tilespmem:s0], [sflag:$0x1] =	stream.linear.gather @!p0 [hbm4b:s4+s0], $0x1000, $0x38;
	[tilespmem:$0x1F800] =	vst v63  }
0x36c: {  	_ =	swait.ge @!p0 [sflag:s1], $0x1000  }
0x36d: {  	[sflag:s1] =	ssyncset.done @!p0 $0x0  }
0x36e: {  	[sflag:s1] =	ssyncadd.s32 @!p0 $0xFFFFF000  }
0x36f: {  	[hbm4b:s3+s0] =	stream.linear.scatter @!p0 [tilespmem:s0], [sflag:$0x3], $0x1000, $0x38;
	[tilespmem:$0x1F800] =	vst v63  }
0x370: {  	s0 =	simm.s32 @!p0 $0x3  }
0x371: {  	_ =	swait.ge @!p0 [sflag:s0], $0x1000  }
0x372: {  	[sflag:s0] =	ssyncset.done @!p0 $0x0  }
0x373: {  	[sflag:s0] =	ssyncadd.s32 @!p0 $0xFFFFF000  }
0x374: {  	_ =	sfence.sel $0x180000  }
0x375: {  	[bflag:$0x0] =	sbarrier.arrive $0xFFFF  }
0x376: {  	p0 =	sne.s32 s29, $0x0;
	_ =	strace $0x90000047  }
0x377: {  	s0 =	sadd.s32 @!p0 $0x100000, s31;
	[bflag:$0x2] =	sbarrier.arrive $0xFFFF  }
0x378: {  	[sflag:s0] =	ssyncadd.tile.s32 @!p0 $0x1;
	_ =	shalt  }
.LBB2_1:
.Ltmp3:
0x379: {  	(pc) =	sbr.rel .LBB2_6-.Ltmp3, $2  }
0x37a: {  	_ =	sdelay $0x2  }
0x37b: {  	_ = 	snop  }
.LBB2_3:
.Ltmp4:
0x37c: {  	(pc) =	sbr.rel .LBB2_6-.Ltmp4, $2  }
0x37d: {  	_ =	sdelay $0x2  }
0x37e: {  	s29 =	stileid.u32;
	s31 =	rddreg [dreg:$0x1]  }
.Lfunc_end2:
_tile_overlayer_lowered:
.L_overlay_start_2:
0x37f: {  	(tag) =	ssettag $0x2  }
0x380: {  	s0 =	rddreg [dreg:$0x0];
	s2 =	stileid.u32  }
0x381: {  	s1 =	rddreg [dreg:$0x1];
	p0 =	sne.s32 s2, $0x0  }
0x382: {  	s3 =	rddreg [dreg:$0x2];
	[bflag:$0x3] =	sbarrier.arrive $0xFFFF;
	s2 =	simm.s32 @!p0 $0x1C05  }
0x383: {  	[timem:s3], [sflag:s2] =	dma.local @!p0 [hbm:s0], s1  }
0x384: {  	s0 =	simm.s32 @!p0 $0x5  }
0x385: {  	_ =	swait.ge @!p0 [sflag:s0], s1  }
0x386: {  	s1 =	ssub.s32 @!p0 $0x0, s1;
	[sflag:s0] =	ssyncset.done @!p0 $0x0  }
0x387: {  	[sflag:s0] =	ssyncadd.s32 @!p0 s1  }
0x388: {  	[bflag:$0x3] =	sbarrier.arrive $0xFFFF  }
0x389: {  	_ =	shalt  }

</sc_bundles>
